<compile_context>
chip_gen: v7x
topology: tpu7x:2x2x1
jax: 0.10.2.dev20260603
libtpu: 0.0.44.dev20260713+nightly
codegen_flags: <defaults>
</compile_context>

<pallas_src>
import dataclasses
import functools

import jax
import jax.numpy as jnp
from jax import lax
from jax.experimental import pallas as pl
from jax.experimental.pallas import tpu as pltpu
from jax.experimental.pallas import tpu_sc as plsc

NC = 2
NS = 16
LN = 16


def _sc_spmm(src, dst, lvals, x):
    E = src.shape[0]
    N, D = x.shape
    NW = NC * NS
    EPW = E // NW
    C = 80
    assert EPW * NW == E and EPW % C == 0 and D % LN == 0
    assert (EPW // C) % 2 == 1
    KB = 25
    EB = KB * C
    NB = EPW // EB
    assert EPW % EB == 0 and KB % 2 == 1
    NP = ((N + 128 * NS - 1) // (128 * NS)) * (128 * NS)
    RPT = NP // NS
    ZR = C
    assert RPT % ZR == 0

    mesh = plsc.VectorSubcoreMesh(
        core_axis_name="c", subcore_axis_name="s", num_cores=NC, num_subcores=NS
    )
    cp = pltpu.CompilerParams()
    if "needs_layout_passes" in pltpu.CompilerParams.__dataclass_fields__:
        cp = dataclasses.replace(cp, needs_layout_passes=False)

    @functools.partial(
        pl.kernel,
        out_type=jax.ShapeDtypeStruct((NC, NP, D), jnp.float32),
        mesh=mesh,
        compiler_params=cp,
        scratch_types=[
            pltpu.VMEM_SHARED((NP, D), jnp.float32),
            pltpu.VMEM((EB,), jnp.int32),
            pltpu.VMEM((EB,), jnp.int32),
            pltpu.VMEM((EB,), jnp.float32),
            pltpu.VMEM((C,), jnp.int32),
            pltpu.VMEM((C, D), jnp.float32),
            pltpu.VMEM((C, D), jnp.float32),
            pltpu.SemaphoreType.DMA,
            pltpu.SemaphoreType.DMA,
        ],
    )
    def sc_kernel(src_hbm, dst_hbm, lv_hbm, x_hbm, part_hbm,
                  acc, src_i, dst_i, lv_i, dst_v, buf_a, buf_b,
                  sem_a, sem_b):
        cid = lax.axis_index("c")
        sid = lax.axis_index("s")
        wid = sid * NC + cid

        zero16 = jnp.zeros((LN,), jnp.float32)

        @pl.loop(0, ZR)
        def _(r):
            for k in range(D // LN):
                buf_a[r, pl.ds(k * LN, LN)] = zero16

        row0 = sid * RPT
        for t in range(RPT // ZR):
            pltpu.sync_copy(buf_a, acc.at[pl.ds(row0 + t * ZR, ZR)])
        plsc.subcore_barrier()

        base_e = wid * EPW

        def gather(j, buf, sem):
            off = pl.multiple_of(j * C, C)
            return pltpu.make_async_copy(
                x_hbm.at[src_i.at[pl.ds(off, C)]], buf, sem)

        def process(j, buf):
            off = pl.multiple_of(j * C, C)
            for q in range(C // LN):
                dst_v[pl.ds(q * LN, LN)] = dst_i[pl.ds(off + q * LN, LN)]

            @pl.loop(0, C)
            def _(e):
                lval = plsc.load_gather(
                    lv_i, [jnp.full((LN,), off + e, jnp.int32)])
                for k in range(D // LN):
                    sl = pl.ds(k * LN, LN)
                    buf[e, sl] = buf[e, sl] * lval

            pltpu.sync_copy(buf, acc.at[dst_v], add=True)

        @pl.loop(0, NB)
        def _(b):
            eb = base_e + b * EB
            pltpu.sync_copy(src_hbm.at[pl.ds(eb, EB)], src_i)
            pltpu.sync_copy(dst_hbm.at[pl.ds(eb, EB)], dst_i)
            pltpu.sync_copy(lv_hbm.at[pl.ds(eb, EB)], lv_i)

            gather(0, buf_a, sem_a).start()

            @pl.loop(0, KB - 1, step=2)
            def _(j):
                gather(j + 1, buf_b, sem_b).start()
                gather(j, buf_a, sem_a).wait()
                process(j, buf_a)
                gather(j + 2, buf_a, sem_a).start()
                gather(j + 1, buf_b, sem_b).wait()
                process(j + 1, buf_b)

            gather(KB - 1, buf_a, sem_a).wait()
            process(KB - 1, buf_a)

        plsc.subcore_barrier()

        for t in range(RPT // ZR):
            r = row0 + t * ZR
            pltpu.sync_copy(acc.at[pl.ds(r, ZR)], part_hbm.at[cid, pl.ds(r, ZR)])

    return sc_kernel(src, dst, lvals, x)


def _tc_finish(partials, weight, bias, N):
    D_IN, D_OUT = weight.shape
    BN = 400
    assert N % BN == 0

    def body(p_ref, w_ref, b_ref, o_ref):
        s = p_ref[0] + p_ref[1]
        y = jnp.dot(s, w_ref[...], preferred_element_type=jnp.float32)
        y = y + b_ref[...]
        o_ref[...] = jnp.where(y >= 0, y, 0.01 * y)

    return pl.pallas_call(
        body,
        grid=(N // BN,),
        in_specs=[
            pl.BlockSpec((2, BN, D_IN), lambda i: (0, i, 0)),
            pl.BlockSpec((D_IN, D_OUT), lambda i: (0, 0)),
            pl.BlockSpec((1, D_OUT), lambda i: (0, 0)),
        ],
        out_specs=pl.BlockSpec((BN, D_OUT), lambda i: (i, 0)),
        out_shape=jax.ShapeDtypeStruct((N, D_OUT), jnp.float32),
    )(partials, weight, bias)


def kernel(x, edge_index, L_vals, weight, bias):
    dst = edge_index[0]
    src = edge_index[1]
    partials = _sc_spmm(src, dst, L_vals, x)
    return _tc_finish(partials, weight, bias.reshape(1, -1), x.shape[0])

# --- scband reference (transcript-rebuilt; emitter-appended) ---
"""Pipeline reference for scband-gcnblock-77884936946088 (READ-ONLY COPY).

The authoritative reference and input builder live on the scoring server;
editing this copy changes nothing except your own understanding.
"""

import jax, jax.numpy as jnp
import numpy as np

N = 10000
E = 320000
D_IN = 128
D_OUT = 128


def setup_inputs(seed: int = 0) -> dict:
    key = jax.random.key(seed)
    k1, k2, k3, k4 = jax.random.split(key, 4)
    x = jax.random.normal(k1, (N, D_IN), dtype=jnp.float32)
    # Sparse Laplacian L in COO form: row 0 = dst (output row), row 1 = src (input col)
    edge_index = jax.random.randint(k2, (2, E), 0, N, dtype=jnp.int32)
    # values ~ U(0, 1/avg_degree) so row sums are O(1), like a normalized Laplacian/adjacency
    L_vals = jax.random.uniform(k3, (E,), dtype=jnp.float32, minval=0.0, maxval=1.0 / 32.0)
    # kaiming_normal_(mode='fan_out') on an (in_dim, out_dim) matrix: std = sqrt(2 / out_dim)
    weight = jax.random.normal(k4, (D_IN, D_OUT), dtype=jnp.float32) * jnp.sqrt(2.0 / D_OUT)
    bias = jnp.zeros((D_OUT,), dtype=jnp.float32)
    return {"x": x, "edge_index": edge_index, "L_vals": L_vals, "weight": weight, "bias": bias}


def reference(x, edge_index, L_vals, weight, bias):
    # x_w = X @ W
    x_w = jnp.matmul(x, weight)
    # out = torch.sparse.mm(L, x_w): out[dst] += L_vals * x_w[src]
    dst = edge_index[0]
    src = edge_index[1]
    msgs = L_vals[:, None] * jnp.take(x_w, src, axis=0)  # gather [E, D_OUT]
    out = jax.ops.segment_sum(msgs, dst, num_segments=N)  # scatter-add [N, D_OUT]
    out = out + bias
    return jax.nn.leaky_relu(out, negative_slope=0.01)

if __name__ == "__main__":
    import jax
    _d = setup_inputs()
    print(jax.jit(kernel)(*tuple(_d.values())))

</pallas_src>

<mosaic_0001>
#map = affine_map<(d0, d1) -> (0)>
#map1 = affine_map<(d0, d1) -> (0, 0)>
#map2 = affine_map<(d0, d1) -> (0, 0, 0)>
module attributes {stable_mosaic.version = 14 : i64} {
  func.func @sc_kernel(%arg0: i32, %arg1: i32, %arg2: memref<320000xi32, #tpu.memory_space<hbm>>, %arg3: memref<320000xi32, #tpu.memory_space<hbm>>, %arg4: memref<320000xf32, #tpu.memory_space<hbm>>, %arg5: memref<10000x128xf32, #tpu.memory_space<hbm>>, %arg6: memref<2x10240x128xf32, #tpu.memory_space<hbm>>, %arg7: memref<10240x128xf32, #tpu.memory_space<vmem_shared>>, %arg8: memref<2000xi32, #tpu.memory_space<vmem>>, %arg9: memref<2000xi32, #tpu.memory_space<vmem>>, %arg10: memref<2000xf32, #tpu.memory_space<vmem>>, %arg11: memref<80xi32, #tpu.memory_space<vmem>>, %arg12: memref<80x128xf32, #tpu.memory_space<vmem>>, %arg13: memref<80x128xf32, #tpu.memory_space<vmem>>, %arg14: memref<!tpu.dma_semaphore, #tpu.memory_space<semaphore_mem>>, %arg15: memref<!tpu.dma_semaphore, #tpu.memory_space<semaphore_mem>>) attributes {dimension_semantics = [#tpu.dimension_semantics<core_parallel>, #tpu.dimension_semantics<subcore_parallel>], iteration_bounds = array<i64: 2, 16>, scalar_prefetch = 0 : i64, scratch_operands = 9 : i64, tpu.core_type = #tpu.core_type<sc_vector_subcore>, window_params = [{transform_indices = #map}, {transform_indices = #map}, {transform_indices = #map}, {transform_indices = #map1}, {transform_indices = #map2}]} {
    %mul3A = arith.constant 2 : i32
    %mul3A_0 = arith.muli %arg1, %mul3A : i32
    %add3A = arith.addi %mul3A_0, %arg0 : i32
    %broadcast_in_dim3A = arith.constant 0.000000e+00 : f32
    %broadcast_in_dim3A_1 = vector.broadcast %broadcast_in_dim3A : f32 to vector<16xf32>
    %scan3A = arith.constant 0 : i32
    %scan3A_2 = arith.constant 80 : i32
    %scan3A_3 = arith.addi %scan3A, %scan3A_2 : i32
    %scan3A_4 = arith.constant 1 : i32
    scf.for %scan3A_48 = %scan3A to %scan3A_3 step %scan3A_4  : i32 {
      %mul3A_49 = arith.constant 1 : i32
      %mul3A_50 = arith.muli %scan3A_48, %mul3A_49 : i32
      %add3A_51 = arith.constant 0 : i32
      %add3A_52 = arith.addi %add3A_51, %mul3A_50 : i32
      %swap3A = arith.index_cast %add3A_52 : i32 to index
      %swap3A_53 = arith.constant 0 : index
      %swap3A_54 = tpu.vector_load %arg12[%swap3A, %swap3A_53] {strides = array<i32>} : memref<80x128xf32, #tpu.memory_space<vmem>>, vector<16xf32>,
      tpu.vector_store %arg12[%swap3A, %swap3A_53], %broadcast_in_dim3A_1 {strides = array<i32>} : memref<80x128xf32, #tpu.memory_space<vmem>>, vector<16xf32>,
      %swap3A_55 = arith.index_cast %add3A_52 : i32 to index
      %swap3A_56 = arith.constant 16 : index
      %swap3A_57 = tpu.vector_load %arg12[%swap3A_55, %swap3A_56] {strides = array<i32>} : memref<80x128xf32, #tpu.memory_space<vmem>>, vector<16xf32>,
      tpu.vector_store %arg12[%swap3A_55, %swap3A_56], %broadcast_in_dim3A_1 {strides = array<i32>} : memref<80x128xf32, #tpu.memory_space<vmem>>, vector<16xf32>,
      %swap3A_58 = arith.index_cast %add3A_52 : i32 to index
      %swap3A_59 = arith.constant 32 : index
      %swap3A_60 = tpu.vector_load %arg12[%swap3A_58, %swap3A_59] {strides = array<i32>} : memref<80x128xf32, #tpu.memory_space<vmem>>, vector<16xf32>,
      tpu.vector_store %arg12[%swap3A_58, %swap3A_59], %broadcast_in_dim3A_1 {strides = array<i32>} : memref<80x128xf32, #tpu.memory_space<vmem>>, vector<16xf32>,
      %swap3A_61 = arith.index_cast %add3A_52 : i32 to index
      %swap3A_62 = arith.constant 48 : index
      %swap3A_63 = tpu.vector_load %arg12[%swap3A_61, %swap3A_62] {strides = array<i32>} : memref<80x128xf32, #tpu.memory_space<vmem>>, vector<16xf32>,
      tpu.vector_store %arg12[%swap3A_61, %swap3A_62], %broadcast_in_dim3A_1 {strides = array<i32>} : memref<80x128xf32, #tpu.memory_space<vmem>>, vector<16xf32>,
      %swap3A_64 = arith.index_cast %add3A_52 : i32 to index
      %swap3A_65 = arith.constant 64 : index
      %swap3A_66 = tpu.vector_load %arg12[%swap3A_64, %swap3A_65] {strides = array<i32>} : memref<80x128xf32, #tpu.memory_space<vmem>>, vector<16xf32>,
      tpu.vector_store %arg12[%swap3A_64, %swap3A_65], %broadcast_in_dim3A_1 {strides = array<i32>} : memref<80x128xf32, #tpu.memory_space<vmem>>, vector<16xf32>,
      %swap3A_67 = arith.index_cast %add3A_52 : i32 to index
      %swap3A_68 = arith.constant 80 : index
      %swap3A_69 = tpu.vector_load %arg12[%swap3A_67, %swap3A_68] {strides = array<i32>} : memref<80x128xf32, #tpu.memory_space<vmem>>, vector<16xf32>,
      tpu.vector_store %arg12[%swap3A_67, %swap3A_68], %broadcast_in_dim3A_1 {strides = array<i32>} : memref<80x128xf32, #tpu.memory_space<vmem>>, vector<16xf32>,
      %swap3A_70 = arith.index_cast %add3A_52 : i32 to index
      %swap3A_71 = arith.constant 96 : index
      %swap3A_72 = tpu.vector_load %arg12[%swap3A_70, %swap3A_71] {strides = array<i32>} : memref<80x128xf32, #tpu.memory_space<vmem>>, vector<16xf32>,
      tpu.vector_store %arg12[%swap3A_70, %swap3A_71], %broadcast_in_dim3A_1 {strides = array<i32>} : memref<80x128xf32, #tpu.memory_space<vmem>>, vector<16xf32>,
      %swap3A_73 = arith.index_cast %add3A_52 : i32 to index
      %swap3A_74 = arith.constant 112 : index
      %swap3A_75 = tpu.vector_load %arg12[%swap3A_73, %swap3A_74] {strides = array<i32>} : memref<80x128xf32, #tpu.memory_space<vmem>>, vector<16xf32>,
      tpu.vector_store %arg12[%swap3A_73, %swap3A_74], %broadcast_in_dim3A_1 {strides = array<i32>} : memref<80x128xf32, #tpu.memory_space<vmem>>, vector<16xf32>,
    }
    %scan3A_5 = arith.constant 80 : i32
    %mul3A_6 = arith.constant 640 : i32
    %mul3A_7 = arith.muli %arg1, %mul3A_6 : i32
    %add3A_8 = arith.constant 0 : i32
    %add3A_9 = arith.addi %mul3A_7, %add3A_8 : i32
    "tpu.region"() ({
      %run_scoped3A = tpu.sem_alloc : memref<!tpu.dma_semaphore, #tpu.memory_space<semaphore_mem>>
      %dma_start3A = arith.constant 0 : i32
      %dma_start3A_48 = tpu.memref_slice %arg7[%add3A_9, %dma_start3A] : memref<10240x128xf32, #tpu.memory_space<vmem_shared>> -> memref<80x128xf32, #tpu.memory_space<vmem_shared>>
      %dma_start3A_49 = arith.constant 0 : i32
      %dma_start3A_50 = tpu.memref_slice %arg7[%add3A_9, %dma_start3A_49] : memref<10240x128xf32, #tpu.memory_space<vmem_shared>> -> memref<80x128xf32, #tpu.memory_space<vmem_shared>>
      tpu.enqueue_dma source(%arg12 : memref<80x128xf32, #tpu.memory_space<vmem>>) target(%dma_start3A_50 : memref<80x128xf32, #tpu.memory_space<vmem_shared>>) target_semaphore(%run_scoped3A : memref<!tpu.dma_semaphore, #tpu.memory_space<semaphore_mem>>)
      %dma_wait3A = arith.constant 0 : i32
      %dma_wait3A_51 = tpu.memref_slice %arg7[%add3A_9, %dma_wait3A] : memref<10240x128xf32, #tpu.memory_space<vmem_shared>> -> memref<80x128xf32, #tpu.memory_space<vmem_shared>>
      %dma_wait3A_52 = arith.constant 0 : i32
      %dma_wait3A_53 = tpu.memref_slice %arg7[%add3A_9, %dma_wait3A_52] : memref<10240x128xf32, #tpu.memory_space<vmem_shared>> -> memref<80x128xf32, #tpu.memory_space<vmem_shared>>
      tpu.wait_dma2 semaphore(%run_scoped3A : memref<!tpu.dma_semaphore, #tpu.memory_space<semaphore_mem>>) src(%arg12 : memref<80x128xf32, #tpu.memory_space<vmem>>) dst(%dma_wait3A_53 : memref<80x128xf32, #tpu.memory_space<vmem_shared>>)
      tpu.yield
    }) : () -> ()
    %add3A_10 = arith.constant 80 : i32
    %add3A_11 = arith.addi %mul3A_7, %add3A_10 : i32
    "tpu.region"() ({
      %run_scoped3A = tpu.sem_alloc : memref<!tpu.dma_semaphore, #tpu.memory_space<semaphore_mem>>
      %dma_start3A = arith.constant 0 : i32
      %dma_start3A_48 = tpu.memref_slice %arg7[%add3A_11, %dma_start3A] : memref<10240x128xf32, #tpu.memory_space<vmem_shared>> -> memref<80x128xf32, #tpu.memory_space<vmem_shared>>
      %dma_start3A_49 = arith.constant 0 : i32
      %dma_start3A_50 = tpu.memref_slice %arg7[%add3A_11, %dma_start3A_49] : memref<10240x128xf32, #tpu.memory_space<vmem_shared>> -> memref<80x128xf32, #tpu.memory_space<vmem_shared>>
      tpu.enqueue_dma source(%arg12 : memref<80x128xf32, #tpu.memory_space<vmem>>) target(%dma_start3A_50 : memref<80x128xf32, #tpu.memory_space<vmem_shared>>) target_semaphore(%run_scoped3A : memref<!tpu.dma_semaphore, #tpu.memory_space<semaphore_mem>>)
      %dma_wait3A = arith.constant 0 : i32
      %dma_wait3A_51 = tpu.memref_slice %arg7[%add3A_11, %dma_wait3A] : memref<10240x128xf32, #tpu.memory_space<vmem_shared>> -> memref<80x128xf32, #tpu.memory_space<vmem_shared>>
      %dma_wait3A_52 = arith.constant 0 : i32
      %dma_wait3A_53 = tpu.memref_slice %arg7[%add3A_11, %dma_wait3A_52] : memref<10240x128xf32, #tpu.memory_space<vmem_shared>> -> memref<80x128xf32, #tpu.memory_space<vmem_shared>>
      tpu.wait_dma2 semaphore(%run_scoped3A : memref<!tpu.dma_semaphore, #tpu.memory_space<semaphore_mem>>) src(%arg12 : memref<80x128xf32, #tpu.memory_space<vmem>>) dst(%dma_wait3A_53 : memref<80x128xf32, #tpu.memory_space<vmem_shared>>)
      tpu.yield
    }) : () -> ()
    %add3A_12 = arith.constant 160 : i32
    %add3A_13 = arith.addi %mul3A_7, %add3A_12 : i32
    "tpu.region"() ({
      %run_scoped3A = tpu.sem_alloc : memref<!tpu.dma_semaphore, #tpu.memory_space<semaphore_mem>>
      %dma_start3A = arith.constant 0 : i32
      %dma_start3A_48 = tpu.memref_slice %arg7[%add3A_13, %dma_start3A] : memref<10240x128xf32, #tpu.memory_space<vmem_shared>> -> memref<80x128xf32, #tpu.memory_space<vmem_shared>>
      %dma_start3A_49 = arith.constant 0 : i32
      %dma_start3A_50 = tpu.memref_slice %arg7[%add3A_13, %dma_start3A_49] : memref<10240x128xf32, #tpu.memory_space<vmem_shared>> -> memref<80x128xf32, #tpu.memory_space<vmem_shared>>
      tpu.enqueue_dma source(%arg12 : memref<80x128xf32, #tpu.memory_space<vmem>>) target(%dma_start3A_50 : memref<80x128xf32, #tpu.memory_space<vmem_shared>>) target_semaphore(%run_scoped3A : memref<!tpu.dma_semaphore, #tpu.memory_space<semaphore_mem>>)
      %dma_wait3A = arith.constant 0 : i32
      %dma_wait3A_51 = tpu.memref_slice %arg7[%add3A_13, %dma_wait3A] : memref<10240x128xf32, #tpu.memory_space<vmem_shared>> -> memref<80x128xf32, #tpu.memory_space<vmem_shared>>
      %dma_wait3A_52 = arith.constant 0 : i32
      %dma_wait3A_53 = tpu.memref_slice %arg7[%add3A_13, %dma_wait3A_52] : memref<10240x128xf32, #tpu.memory_space<vmem_shared>> -> memref<80x128xf32, #tpu.memory_space<vmem_shared>>
      tpu.wait_dma2 semaphore(%run_scoped3A : memref<!tpu.dma_semaphore, #tpu.memory_space<semaphore_mem>>) src(%arg12 : memref<80x128xf32, #tpu.memory_space<vmem>>) dst(%dma_wait3A_53 : memref<80x128xf32, #tpu.memory_space<vmem_shared>>)
      tpu.yield
    }) : () -> ()
    %add3A_14 = arith.constant 240 : i32
    %add3A_15 = arith.addi %mul3A_7, %add3A_14 : i32
    "tpu.region"() ({
      %run_scoped3A = tpu.sem_alloc : memref<!tpu.dma_semaphore, #tpu.memory_space<semaphore_mem>>
      %dma_start3A = arith.constant 0 : i32
      %dma_start3A_48 = tpu.memref_slice %arg7[%add3A_15, %dma_start3A] : memref<10240x128xf32, #tpu.memory_space<vmem_shared>> -> memref<80x128xf32, #tpu.memory_space<vmem_shared>>
      %dma_start3A_49 = arith.constant 0 : i32
      %dma_start3A_50 = tpu.memref_slice %arg7[%add3A_15, %dma_start3A_49] : memref<10240x128xf32, #tpu.memory_space<vmem_shared>> -> memref<80x128xf32, #tpu.memory_space<vmem_shared>>
      tpu.enqueue_dma source(%arg12 : memref<80x128xf32, #tpu.memory_space<vmem>>) target(%dma_start3A_50 : memref<80x128xf32, #tpu.memory_space<vmem_shared>>) target_semaphore(%run_scoped3A : memref<!tpu.dma_semaphore, #tpu.memory_space<semaphore_mem>>)
      %dma_wait3A = arith.constant 0 : i32
      %dma_wait3A_51 = tpu.memref_slice %arg7[%add3A_15, %dma_wait3A] : memref<10240x128xf32, #tpu.memory_space<vmem_shared>> -> memref<80x128xf32, #tpu.memory_space<vmem_shared>>
      %dma_wait3A_52 = arith.constant 0 : i32
      %dma_wait3A_53 = tpu.memref_slice %arg7[%add3A_15, %dma_wait3A_52] : memref<10240x128xf32, #tpu.memory_space<vmem_shared>> -> memref<80x128xf32, #tpu.memory_space<vmem_shared>>
      tpu.wait_dma2 semaphore(%run_scoped3A : memref<!tpu.dma_semaphore, #tpu.memory_space<semaphore_mem>>) src(%arg12 : memref<80x128xf32, #tpu.memory_space<vmem>>) dst(%dma_wait3A_53 : memref<80x128xf32, #tpu.memory_space<vmem_shared>>)
      tpu.yield
    }) : () -> ()
    %add3A_16 = arith.constant 320 : i32
    %add3A_17 = arith.addi %mul3A_7, %add3A_16 : i32
    "tpu.region"() ({
      %run_scoped3A = tpu.sem_alloc : memref<!tpu.dma_semaphore, #tpu.memory_space<semaphore_mem>>
      %dma_start3A = arith.constant 0 : i32
      %dma_start3A_48 = tpu.memref_slice %arg7[%add3A_17, %dma_start3A] : memref<10240x128xf32, #tpu.memory_space<vmem_shared>> -> memref<80x128xf32, #tpu.memory_space<vmem_shared>>
      %dma_start3A_49 = arith.constant 0 : i32
      %dma_start3A_50 = tpu.memref_slice %arg7[%add3A_17, %dma_start3A_49] : memref<10240x128xf32, #tpu.memory_space<vmem_shared>> -> memref<80x128xf32, #tpu.memory_space<vmem_shared>>
      tpu.enqueue_dma source(%arg12 : memref<80x128xf32, #tpu.memory_space<vmem>>) target(%dma_start3A_50 : memref<80x128xf32, #tpu.memory_space<vmem_shared>>) target_semaphore(%run_scoped3A : memref<!tpu.dma_semaphore, #tpu.memory_space<semaphore_mem>>)
      %dma_wait3A = arith.constant 0 : i32
      %dma_wait3A_51 = tpu.memref_slice %arg7[%add3A_17, %dma_wait3A] : memref<10240x128xf32, #tpu.memory_space<vmem_shared>> -> memref<80x128xf32, #tpu.memory_space<vmem_shared>>
      %dma_wait3A_52 = arith.constant 0 : i32
      %dma_wait3A_53 = tpu.memref_slice %arg7[%add3A_17, %dma_wait3A_52] : memref<10240x128xf32, #tpu.memory_space<vmem_shared>> -> memref<80x128xf32, #tpu.memory_space<vmem_shared>>
      tpu.wait_dma2 semaphore(%run_scoped3A : memref<!tpu.dma_semaphore, #tpu.memory_space<semaphore_mem>>) src(%arg12 : memref<80x128xf32, #tpu.memory_space<vmem>>) dst(%dma_wait3A_53 : memref<80x128xf32, #tpu.memory_space<vmem_shared>>)
      tpu.yield
    }) : () -> ()
    %add3A_18 = arith.constant 400 : i32
    %add3A_19 = arith.addi %mul3A_7, %add3A_18 : i32
    "tpu.region"() ({
      %run_scoped3A = tpu.sem_alloc : memref<!tpu.dma_semaphore, #tpu.memory_space<semaphore_mem>>
      %dma_start3A = arith.constant 0 : i32
      %dma_start3A_48 = tpu.memref_slice %arg7[%add3A_19, %dma_start3A] : memref<10240x128xf32, #tpu.memory_space<vmem_shared>> -> memref<80x128xf32, #tpu.memory_space<vmem_shared>>
      %dma_start3A_49 = arith.constant 0 : i32
      %dma_start3A_50 = tpu.memref_slice %arg7[%add3A_19, %dma_start3A_49] : memref<10240x128xf32, #tpu.memory_space<vmem_shared>> -> memref<80x128xf32, #tpu.memory_space<vmem_shared>>
      tpu.enqueue_dma source(%arg12 : memref<80x128xf32, #tpu.memory_space<vmem>>) target(%dma_start3A_50 : memref<80x128xf32, #tpu.memory_space<vmem_shared>>) target_semaphore(%run_scoped3A : memref<!tpu.dma_semaphore, #tpu.memory_space<semaphore_mem>>)
      %dma_wait3A = arith.constant 0 : i32
      %dma_wait3A_51 = tpu.memref_slice %arg7[%add3A_19, %dma_wait3A] : memref<10240x128xf32, #tpu.memory_space<vmem_shared>> -> memref<80x128xf32, #tpu.memory_space<vmem_shared>>
      %dma_wait3A_52 = arith.constant 0 : i32
      %dma_wait3A_53 = tpu.memref_slice %arg7[%add3A_19, %dma_wait3A_52] : memref<10240x128xf32, #tpu.memory_space<vmem_shared>> -> memref<80x128xf32, #tpu.memory_space<vmem_shared>>
      tpu.wait_dma2 semaphore(%run_scoped3A : memref<!tpu.dma_semaphore, #tpu.memory_space<semaphore_mem>>) src(%arg12 : memref<80x128xf32, #tpu.memory_space<vmem>>) dst(%dma_wait3A_53 : memref<80x128xf32, #tpu.memory_space<vmem_shared>>)
      tpu.yield
    }) : () -> ()
    %add3A_20 = arith.constant 480 : i32
    %add3A_21 = arith.addi %mul3A_7, %add3A_20 : i32
    "tpu.region"() ({
      %run_scoped3A = tpu.sem_alloc : memref<!tpu.dma_semaphore, #tpu.memory_space<semaphore_mem>>
      %dma_start3A = arith.constant 0 : i32
      %dma_start3A_48 = tpu.memref_slice %arg7[%add3A_21, %dma_start3A] : memref<10240x128xf32, #tpu.memory_space<vmem_shared>> -> memref<80x128xf32, #tpu.memory_space<vmem_shared>>
      %dma_start3A_49 = arith.constant 0 : i32
      %dma_start3A_50 = tpu.memref_slice %arg7[%add3A_21, %dma_start3A_49] : memref<10240x128xf32, #tpu.memory_space<vmem_shared>> -> memref<80x128xf32, #tpu.memory_space<vmem_shared>>
      tpu.enqueue_dma source(%arg12 : memref<80x128xf32, #tpu.memory_space<vmem>>) target(%dma_start3A_50 : memref<80x128xf32, #tpu.memory_space<vmem_shared>>) target_semaphore(%run_scoped3A : memref<!tpu.dma_semaphore, #tpu.memory_space<semaphore_mem>>)
      %dma_wait3A = arith.constant 0 : i32
      %dma_wait3A_51 = tpu.memref_slice %arg7[%add3A_21, %dma_wait3A] : memref<10240x128xf32, #tpu.memory_space<vmem_shared>> -> memref<80x128xf32, #tpu.memory_space<vmem_shared>>
      %dma_wait3A_52 = arith.constant 0 : i32
      %dma_wait3A_53 = tpu.memref_slice %arg7[%add3A_21, %dma_wait3A_52] : memref<10240x128xf32, #tpu.memory_space<vmem_shared>> -> memref<80x128xf32, #tpu.memory_space<vmem_shared>>
      tpu.wait_dma2 semaphore(%run_scoped3A : memref<!tpu.dma_semaphore, #tpu.memory_space<semaphore_mem>>) src(%arg12 : memref<80x128xf32, #tpu.memory_space<vmem>>) dst(%dma_wait3A_53 : memref<80x128xf32, #tpu.memory_space<vmem_shared>>)
      tpu.yield
    }) : () -> ()
    %add3A_22 = arith.constant 560 : i32
    %add3A_23 = arith.addi %mul3A_7, %add3A_22 : i32
    "tpu.region"() ({
      %run_scoped3A = tpu.sem_alloc : memref<!tpu.dma_semaphore, #tpu.memory_space<semaphore_mem>>
      %dma_start3A = arith.constant 0 : i32
      %dma_start3A_48 = tpu.memref_slice %arg7[%add3A_23, %dma_start3A] : memref<10240x128xf32, #tpu.memory_space<vmem_shared>> -> memref<80x128xf32, #tpu.memory_space<vmem_shared>>
      %dma_start3A_49 = arith.constant 0 : i32
      %dma_start3A_50 = tpu.memref_slice %arg7[%add3A_23, %dma_start3A_49] : memref<10240x128xf32, #tpu.memory_space<vmem_shared>> -> memref<80x128xf32, #tpu.memory_space<vmem_shared>>
      tpu.enqueue_dma source(%arg12 : memref<80x128xf32, #tpu.memory_space<vmem>>) target(%dma_start3A_50 : memref<80x128xf32, #tpu.memory_space<vmem_shared>>) target_semaphore(%run_scoped3A : memref<!tpu.dma_semaphore, #tpu.memory_space<semaphore_mem>>)
      %dma_wait3A = arith.constant 0 : i32
      %dma_wait3A_51 = tpu.memref_slice %arg7[%add3A_23, %dma_wait3A] : memref<10240x128xf32, #tpu.memory_space<vmem_shared>> -> memref<80x128xf32, #tpu.memory_space<vmem_shared>>
      %dma_wait3A_52 = arith.constant 0 : i32
      %dma_wait3A_53 = tpu.memref_slice %arg7[%add3A_23, %dma_wait3A_52] : memref<10240x128xf32, #tpu.memory_space<vmem_shared>> -> memref<80x128xf32, #tpu.memory_space<vmem_shared>>
      tpu.wait_dma2 semaphore(%run_scoped3A : memref<!tpu.dma_semaphore, #tpu.memory_space<semaphore_mem>>) src(%arg12 : memref<80x128xf32, #tpu.memory_space<vmem>>) dst(%dma_wait3A_53 : memref<80x128xf32, #tpu.memory_space<vmem_shared>>)
      tpu.yield
    }) : () -> ()
    %barrier3A = arith.constant 0 : index
    tpu.barrier barrier_id(%barrier3A)
    %mul3A_24 = arith.constant 10000 : i32
    %mul3A_25 = arith.muli %add3A, %mul3A_24 : i32
    %scan3A_26 = arith.constant 0 : i32
    %scan3A_27 = arith.constant 5 : i32
    %scan3A_28 = arith.addi %scan3A_26, %scan3A_27 : i32
    %scan3A_29 = arith.constant 1 : i32
    scf.for %scan3A_48 = %scan3A_26 to %scan3A_28 step %scan3A_29  : i32 {
      %mul3A_49 = arith.constant 1 : i32
      %mul3A_50 = arith.muli %scan3A_48, %mul3A_49 : i32
      %add3A_51 = arith.constant 0 : i32
      %add3A_52 = arith.addi %add3A_51, %mul3A_50 : i32
      %mul3A_53 = arith.constant 2000 : i32
      %mul3A_54 = arith.muli %add3A_52, %mul3A_53 : i32
      %add3A_55 = arith.addi %mul3A_25, %mul3A_54 : i32
      "tpu.region"() ({
        %run_scoped3A = tpu.sem_alloc : memref<!tpu.dma_semaphore, #tpu.memory_space<semaphore_mem>>
        %dma_start3A_105 = tpu.memref_slice %arg2[%add3A_55] : memref<320000xi32, #tpu.memory_space<hbm>> -> memref<2000xi32, #tpu.memory_space<hbm>>
        %dma_start3A_106 = tpu.memref_slice %arg2[%add3A_55] : memref<320000xi32, #tpu.memory_space<hbm>> -> memref<2000xi32, #tpu.memory_space<hbm>>
        tpu.enqueue_dma source(%dma_start3A_106 : memref<2000xi32, #tpu.memory_space<hbm>>) target(%arg8 : memref<2000xi32, #tpu.memory_space<vmem>>) target_semaphore(%run_scoped3A : memref<!tpu.dma_semaphore, #tpu.memory_space<semaphore_mem>>)
        %dma_wait3A_107 = tpu.memref_slice %arg2[%add3A_55] : memref<320000xi32, #tpu.memory_space<hbm>> -> memref<2000xi32, #tpu.memory_space<hbm>>
        %dma_wait3A_108 = tpu.memref_slice %arg2[%add3A_55] : memref<320000xi32, #tpu.memory_space<hbm>> -> memref<2000xi32, #tpu.memory_space<hbm>>
        tpu.wait_dma2 semaphore(%run_scoped3A : memref<!tpu.dma_semaphore, #tpu.memory_space<semaphore_mem>>) src(%dma_wait3A_108 : memref<2000xi32, #tpu.memory_space<hbm>>) dst(%arg8 : memref<2000xi32, #tpu.memory_space<vmem>>)
        tpu.yield
      }) : () -> ()
      "tpu.region"() ({
        %run_scoped3A = tpu.sem_alloc : memref<!tpu.dma_semaphore, #tpu.memory_space<semaphore_mem>>
        %dma_start3A_105 = tpu.memref_slice %arg3[%add3A_55] : memref<320000xi32, #tpu.memory_space<hbm>> -> memref<2000xi32, #tpu.memory_space<hbm>>
        %dma_start3A_106 = tpu.memref_slice %arg3[%add3A_55] : memref<320000xi32, #tpu.memory_space<hbm>> -> memref<2000xi32, #tpu.memory_space<hbm>>
        tpu.enqueue_dma source(%dma_start3A_106 : memref<2000xi32, #tpu.memory_space<hbm>>) target(%arg9 : memref<2000xi32, #tpu.memory_space<vmem>>) target_semaphore(%run_scoped3A : memref<!tpu.dma_semaphore, #tpu.memory_space<semaphore_mem>>)
        %dma_wait3A_107 = tpu.memref_slice %arg3[%add3A_55] : memref<320000xi32, #tpu.memory_space<hbm>> -> memref<2000xi32, #tpu.memory_space<hbm>>
        %dma_wait3A_108 = tpu.memref_slice %arg3[%add3A_55] : memref<320000xi32, #tpu.memory_space<hbm>> -> memref<2000xi32, #tpu.memory_space<hbm>>
        tpu.wait_dma2 semaphore(%run_scoped3A : memref<!tpu.dma_semaphore, #tpu.memory_space<semaphore_mem>>) src(%dma_wait3A_108 : memref<2000xi32, #tpu.memory_space<hbm>>) dst(%arg9 : memref<2000xi32, #tpu.memory_space<vmem>>)
        tpu.yield
      }) : () -> ()
      "tpu.region"() ({
        %run_scoped3A = tpu.sem_alloc : memref<!tpu.dma_semaphore, #tpu.memory_space<semaphore_mem>>
        %dma_start3A_105 = tpu.memref_slice %arg4[%add3A_55] : memref<320000xf32, #tpu.memory_space<hbm>> -> memref<2000xf32, #tpu.memory_space<hbm>>
        %dma_start3A_106 = tpu.memref_slice %arg4[%add3A_55] : memref<320000xf32, #tpu.memory_space<hbm>> -> memref<2000xf32, #tpu.memory_space<hbm>>
        tpu.enqueue_dma source(%dma_start3A_106 : memref<2000xf32, #tpu.memory_space<hbm>>) target(%arg10 : memref<2000xf32, #tpu.memory_space<vmem>>) target_semaphore(%run_scoped3A : memref<!tpu.dma_semaphore, #tpu.memory_space<semaphore_mem>>)
        %dma_wait3A_107 = tpu.memref_slice %arg4[%add3A_55] : memref<320000xf32, #tpu.memory_space<hbm>> -> memref<2000xf32, #tpu.memory_space<hbm>>
        %dma_wait3A_108 = tpu.memref_slice %arg4[%add3A_55] : memref<320000xf32, #tpu.memory_space<hbm>> -> memref<2000xf32, #tpu.memory_space<hbm>>
        tpu.wait_dma2 semaphore(%run_scoped3A : memref<!tpu.dma_semaphore, #tpu.memory_space<semaphore_mem>>) src(%dma_wait3A_108 : memref<2000xf32, #tpu.memory_space<hbm>>) dst(%arg10 : memref<2000xf32, #tpu.memory_space<vmem>>)
        tpu.yield
      }) : () -> ()
      %multiple_of3A = arith.constant 0 : i32
      %multiple_of3A_56 = tpu.assume_multiple %multiple_of3A, 80 : i32
      %dma_start3A = tpu.memref_slice %arg8[%multiple_of3A_56] : memref<2000xi32, #tpu.memory_space<vmem>> -> memref<80xi32, #tpu.memory_space<vmem>>
      %dma_start3A_57 = arith.constant 0 : i32
      %dma_start3A_58 = arith.constant 0 : i32
      %dma_start3A_59 = tpu.memref_slice %arg5[%dma_start3A_57, %dma_start3A_58] : memref<10000x128xf32, #tpu.memory_space<hbm>> -> memref<10000x128xf32, #tpu.memory_space<hbm>>
      tpu.enqueue_indirect_dma source(%dma_start3A_59 : memref<10000x128xf32, #tpu.memory_space<hbm>>) target(%arg12 : memref<80x128xf32, #tpu.memory_space<vmem>>) offsets(%dma_start3A : memref<80xi32, #tpu.memory_space<vmem>>) semaphore(%arg14 : memref<!tpu.dma_semaphore, #tpu.memory_space<semaphore_mem>>)
      %scan3A_60 = arith.constant 0 : i32
      %scan3A_61 = arith.constant 12 : i32
      %scan3A_62 = arith.addi %scan3A_60, %scan3A_61 : i32
      %scan3A_63 = arith.constant 1 : i32
      scf.for %scan3A_105 = %scan3A_60 to %scan3A_62 step %scan3A_63  : i32 {
        %mul3A_106 = arith.constant 2 : i32
        %mul3A_107 = arith.muli %scan3A_105, %mul3A_106 : i32
        %add3A_108 = arith.constant 0 : i32
        %add3A_109 = arith.addi %add3A_108, %mul3A_107 : i32
        %add3A_110 = arith.constant 1 : i32
        %add3A_111 = arith.addi %add3A_109, %add3A_110 : i32
        %mul3A_112 = arith.constant 80 : i32
        %mul3A_113 = arith.muli %add3A_111, %mul3A_112 : i32
        %multiple_of3A_114 = tpu.assume_multiple %mul3A_113, 80 : i32
        %dma_start3A_115 = tpu.memref_slice %arg8[%multiple_of3A_114] : memref<2000xi32, #tpu.memory_space<vmem>> -> memref<80xi32, #tpu.memory_space<vmem>>
        %dma_start3A_116 = arith.constant 0 : i32
        %dma_start3A_117 = arith.constant 0 : i32
        %dma_start3A_118 = tpu.memref_slice %arg5[%dma_start3A_116, %dma_start3A_117] : memref<10000x128xf32, #tpu.memory_space<hbm>> -> memref<10000x128xf32, #tpu.memory_space<hbm>>
        tpu.enqueue_indirect_dma source(%dma_start3A_118 : memref<10000x128xf32, #tpu.memory_space<hbm>>) target(%arg13 : memref<80x128xf32, #tpu.memory_space<vmem>>) offsets(%dma_start3A_115 : memref<80xi32, #tpu.memory_space<vmem>>) semaphore(%arg15 : memref<!tpu.dma_semaphore, #tpu.memory_space<semaphore_mem>>)
        %mul3A_119 = arith.constant 80 : i32
        %mul3A_120 = arith.muli %add3A_109, %mul3A_119 : i32
        %multiple_of3A_121 = tpu.assume_multiple %mul3A_120, 80 : i32
        %dma_wait3A_122 = tpu.memref_slice %arg8[%multiple_of3A_121] : memref<2000xi32, #tpu.memory_space<vmem>> -> memref<80xi32, #tpu.memory_space<vmem>>
        %dma_wait3A_123 = arith.constant 0 : i32
        %dma_wait3A_124 = arith.constant 0 : i32
        %dma_wait3A_125 = tpu.memref_slice %arg5[%dma_wait3A_123, %dma_wait3A_124] : memref<10000x128xf32, #tpu.memory_space<hbm>> -> memref<10000x128xf32, #tpu.memory_space<hbm>>
        tpu.wait_indirect_dma semaphore(%arg14 : memref<!tpu.dma_semaphore, #tpu.memory_space<semaphore_mem>>) src(%dma_wait3A_125 : memref<10000x128xf32, #tpu.memory_space<hbm>>) dst(%arg12 : memref<80x128xf32, #tpu.memory_space<vmem>>)
        %mul3A_126 = arith.constant 80 : i32
        %mul3A_127 = arith.muli %add3A_109, %mul3A_126 : i32
        %multiple_of3A_128 = tpu.assume_multiple %mul3A_127, 80 : i32
        %add3A_129 = arith.constant 0 : i32
        %add3A_130 = arith.addi %multiple_of3A_128, %add3A_129 : i32
        %get3A_131 = arith.index_cast %add3A_130 : i32 to index
        %get3A_132 = tpu.vector_load %arg9[%get3A_131] {strides = array<i32>} : memref<2000xi32, #tpu.memory_space<vmem>>, vector<16xi32>,
        %swap3A_133 = arith.constant 0 : index
        %swap3A_134 = tpu.vector_load %arg11[%swap3A_133] {strides = array<i32>} : memref<80xi32, #tpu.memory_space<vmem>>, vector<16xi32>,
        tpu.vector_store %arg11[%swap3A_133], %get3A_132 {strides = array<i32>} : memref<80xi32, #tpu.memory_space<vmem>>, vector<16xi32>,
        %add3A_135 = arith.constant 16 : i32
        %add3A_136 = arith.addi %multiple_of3A_128, %add3A_135 : i32
        %get3A_137 = arith.index_cast %add3A_136 : i32 to index
        %get3A_138 = tpu.vector_load %arg9[%get3A_137] {strides = array<i32>} : memref<2000xi32, #tpu.memory_space<vmem>>, vector<16xi32>,
        %swap3A_139 = arith.constant 16 : index
        %swap3A_140 = tpu.vector_load %arg11[%swap3A_139] {strides = array<i32>} : memref<80xi32, #tpu.memory_space<vmem>>, vector<16xi32>,
        tpu.vector_store %arg11[%swap3A_139], %get3A_138 {strides = array<i32>} : memref<80xi32, #tpu.memory_space<vmem>>, vector<16xi32>,
        %add3A_141 = arith.constant 32 : i32
        %add3A_142 = arith.addi %multiple_of3A_128, %add3A_141 : i32
        %get3A_143 = arith.index_cast %add3A_142 : i32 to index
        %get3A_144 = tpu.vector_load %arg9[%get3A_143] {strides = array<i32>} : memref<2000xi32, #tpu.memory_space<vmem>>, vector<16xi32>,
        %swap3A_145 = arith.constant 32 : index
        %swap3A_146 = tpu.vector_load %arg11[%swap3A_145] {strides = array<i32>} : memref<80xi32, #tpu.memory_space<vmem>>, vector<16xi32>,
        tpu.vector_store %arg11[%swap3A_145], %get3A_144 {strides = array<i32>} : memref<80xi32, #tpu.memory_space<vmem>>, vector<16xi32>,
        %add3A_147 = arith.constant 48 : i32
        %add3A_148 = arith.addi %multiple_of3A_128, %add3A_147 : i32
        %get3A_149 = arith.index_cast %add3A_148 : i32 to index
        %get3A_150 = tpu.vector_load %arg9[%get3A_149] {strides = array<i32>} : memref<2000xi32, #tpu.memory_space<vmem>>, vector<16xi32>,
        %swap3A_151 = arith.constant 48 : index
        %swap3A_152 = tpu.vector_load %arg11[%swap3A_151] {strides = array<i32>} : memref<80xi32, #tpu.memory_space<vmem>>, vector<16xi32>,
        tpu.vector_store %arg11[%swap3A_151], %get3A_150 {strides = array<i32>} : memref<80xi32, #tpu.memory_space<vmem>>, vector<16xi32>,
        %add3A_153 = arith.constant 64 : i32
        %add3A_154 = arith.addi %multiple_of3A_128, %add3A_153 : i32
        %get3A_155 = arith.index_cast %add3A_154 : i32 to index
        %get3A_156 = tpu.vector_load %arg9[%get3A_155] {strides = array<i32>} : memref<2000xi32, #tpu.memory_space<vmem>>, vector<16xi32>,
        %swap3A_157 = arith.constant 64 : index
        %swap3A_158 = tpu.vector_load %arg11[%swap3A_157] {strides = array<i32>} : memref<80xi32, #tpu.memory_space<vmem>>, vector<16xi32>,
        tpu.vector_store %arg11[%swap3A_157], %get3A_156 {strides = array<i32>} : memref<80xi32, #tpu.memory_space<vmem>>, vector<16xi32>,
        %scan3A_159 = arith.constant 0 : i32
        %scan3A_160 = arith.constant 80 : i32
        %scan3A_161 = arith.addi %scan3A_159, %scan3A_160 : i32
        %scan3A_162 = arith.constant 1 : i32
        scf.for %scan3A_222 = %scan3A_159 to %scan3A_161 step %scan3A_162  : i32 {
          %mul3A_223 = arith.constant 1 : i32
          %mul3A_224 = arith.muli %scan3A_222, %mul3A_223 : i32
          %add3A_225 = arith.constant 0 : i32
          %add3A_226 = arith.addi %add3A_225, %mul3A_224 : i32
          %add3A_227 = arith.addi %multiple_of3A_128, %add3A_226 : i32
          %broadcast_in_dim3A_228 = vector.broadcast %add3A_227 : i32 to vector<16xi32>
          %gather3A = tpu.vector_load_idx %arg10[%broadcast_in_dim3A_228] : memref<2000xf32, #tpu.memory_space<vmem>>[vector<16xi32>], vector<16xf32>,
          %get3A_229 = arith.index_cast %add3A_226 : i32 to index
          %get3A_230 = arith.constant 0 : index
          %get3A_231 = tpu.vector_load %arg12[%get3A_229, %get3A_230] {strides = array<i32>} : memref<80x128xf32, #tpu.memory_space<vmem>>, vector<16xf32>,
          %mul3A_232 = arith.mulf %get3A_231, %gather3A : vector<16xf32>
          %swap3A_233 = arith.index_cast %add3A_226 : i32 to index
          %swap3A_234 = arith.constant 0 : index
          %swap3A_235 = tpu.vector_load %arg12[%swap3A_233, %swap3A_234] {strides = array<i32>} : memref<80x128xf32, #tpu.memory_space<vmem>>, vector<16xf32>,
          tpu.vector_store %arg12[%swap3A_233, %swap3A_234], %mul3A_232 {strides = array<i32>} : memref<80x128xf32, #tpu.memory_space<vmem>>, vector<16xf32>,
          %get3A_236 = arith.index_cast %add3A_226 : i32 to index
          %get3A_237 = arith.constant 16 : index
          %get3A_238 = tpu.vector_load %arg12[%get3A_236, %get3A_237] {strides = array<i32>} : memref<80x128xf32, #tpu.memory_space<vmem>>, vector<16xf32>,
          %mul3A_239 = arith.mulf %get3A_238, %gather3A : vector<16xf32>
          %swap3A_240 = arith.index_cast %add3A_226 : i32 to index
          %swap3A_241 = arith.constant 16 : index
          %swap3A_242 = tpu.vector_load %arg12[%swap3A_240, %swap3A_241] {strides = array<i32>} : memref<80x128xf32, #tpu.memory_space<vmem>>, vector<16xf32>,
          tpu.vector_store %arg12[%swap3A_240, %swap3A_241], %mul3A_239 {strides = array<i32>} : memref<80x128xf32, #tpu.memory_space<vmem>>, vector<16xf32>,
          %get3A_243 = arith.index_cast %add3A_226 : i32 to index
          %get3A_244 = arith.constant 32 : index
          %get3A_245 = tpu.vector_load %arg12[%get3A_243, %get3A_244] {strides = array<i32>} : memref<80x128xf32, #tpu.memory_space<vmem>>, vector<16xf32>,
          %mul3A_246 = arith.mulf %get3A_245, %gather3A : vector<16xf32>
          %swap3A_247 = arith.index_cast %add3A_226 : i32 to index
          %swap3A_248 = arith.constant 32 : index
          %swap3A_249 = tpu.vector_load %arg12[%swap3A_247, %swap3A_248] {strides = array<i32>} : memref<80x128xf32, #tpu.memory_space<vmem>>, vector<16xf32>,
          tpu.vector_store %arg12[%swap3A_247, %swap3A_248], %mul3A_246 {strides = array<i32>} : memref<80x128xf32, #tpu.memory_space<vmem>>, vector<16xf32>,
          %get3A_250 = arith.index_cast %add3A_226 : i32 to index
          %get3A_251 = arith.constant 48 : index
          %get3A_252 = tpu.vector_load %arg12[%get3A_250, %get3A_251] {strides = array<i32>} : memref<80x128xf32, #tpu.memory_space<vmem>>, vector<16xf32>,
          %mul3A_253 = arith.mulf %get3A_252, %gather3A : vector<16xf32>
          %swap3A_254 = arith.index_cast %add3A_226 : i32 to index
          %swap3A_255 = arith.constant 48 : index
          %swap3A_256 = tpu.vector_load %arg12[%swap3A_254, %swap3A_255] {strides = array<i32>} : memref<80x128xf32, #tpu.memory_space<vmem>>, vector<16xf32>,
          tpu.vector_store %arg12[%swap3A_254, %swap3A_255], %mul3A_253 {strides = array<i32>} : memref<80x128xf32, #tpu.memory_space<vmem>>, vector<16xf32>,
          %get3A_257 = arith.index_cast %add3A_226 : i32 to index
          %get3A_258 = arith.constant 64 : index
          %get3A_259 = tpu.vector_load %arg12[%get3A_257, %get3A_258] {strides = array<i32>} : memref<80x128xf32, #tpu.memory_space<vmem>>, vector<16xf32>,
          %mul3A_260 = arith.mulf %get3A_259, %gather3A : vector<16xf32>
          %swap3A_261 = arith.index_cast %add3A_226 : i32 to index
          %swap3A_262 = arith.constant 64 : index
          %swap3A_263 = tpu.vector_load %arg12[%swap3A_261, %swap3A_262] {strides = array<i32>} : memref<80x128xf32, #tpu.memory_space<vmem>>, vector<16xf32>,
          tpu.vector_store %arg12[%swap3A_261, %swap3A_262], %mul3A_260 {strides = array<i32>} : memref<80x128xf32, #tpu.memory_space<vmem>>, vector<16xf32>,
          %get3A_264 = arith.index_cast %add3A_226 : i32 to index
          %get3A_265 = arith.constant 80 : index
          %get3A_266 = tpu.vector_load %arg12[%get3A_264, %get3A_265] {strides = array<i32>} : memref<80x128xf32, #tpu.memory_space<vmem>>, vector<16xf32>,
          %mul3A_267 = arith.mulf %get3A_266, %gather3A : vector<16xf32>
          %swap3A_268 = arith.index_cast %add3A_226 : i32 to index
          %swap3A_269 = arith.constant 80 : index
          %swap3A_270 = tpu.vector_load %arg12[%swap3A_268, %swap3A_269] {strides = array<i32>} : memref<80x128xf32, #tpu.memory_space<vmem>>, vector<16xf32>,
          tpu.vector_store %arg12[%swap3A_268, %swap3A_269], %mul3A_267 {strides = array<i32>} : memref<80x128xf32, #tpu.memory_space<vmem>>, vector<16xf32>,
          %get3A_271 = arith.index_cast %add3A_226 : i32 to index
          %get3A_272 = arith.constant 96 : index
          %get3A_273 = tpu.vector_load %arg12[%get3A_271, %get3A_272] {strides = array<i32>} : memref<80x128xf32, #tpu.memory_space<vmem>>, vector<16xf32>,
          %mul3A_274 = arith.mulf %get3A_273, %gather3A : vector<16xf32>
          %swap3A_275 = arith.index_cast %add3A_226 : i32 to index
          %swap3A_276 = arith.constant 96 : index
          %swap3A_277 = tpu.vector_load %arg12[%swap3A_275, %swap3A_276] {strides = array<i32>} : memref<80x128xf32, #tpu.memory_space<vmem>>, vector<16xf32>,
          tpu.vector_store %arg12[%swap3A_275, %swap3A_276], %mul3A_274 {strides = array<i32>} : memref<80x128xf32, #tpu.memory_space<vmem>>, vector<16xf32>,
          %get3A_278 = arith.index_cast %add3A_226 : i32 to index
          %get3A_279 = arith.constant 112 : index
          %get3A_280 = tpu.vector_load %arg12[%get3A_278, %get3A_279] {strides = array<i32>} : memref<80x128xf32, #tpu.memory_space<vmem>>, vector<16xf32>,
          %mul3A_281 = arith.mulf %get3A_280, %gather3A : vector<16xf32>
          %swap3A_282 = arith.index_cast %add3A_226 : i32 to index
          %swap3A_283 = arith.constant 112 : index
          %swap3A_284 = tpu.vector_load %arg12[%swap3A_282, %swap3A_283] {strides = array<i32>} : memref<80x128xf32, #tpu.memory_space<vmem>>, vector<16xf32>,
          tpu.vector_store %arg12[%swap3A_282, %swap3A_283], %mul3A_281 {strides = array<i32>} : memref<80x128xf32, #tpu.memory_space<vmem>>, vector<16xf32>,
        }
        %scan3A_163 = arith.constant 80 : i32
        "tpu.region"() ({
          %run_scoped3A = tpu.sem_alloc : memref<!tpu.dma_semaphore, #tpu.memory_space<semaphore_mem>>
          %dma_start3A_222 = arith.constant 0 : i32
          %dma_start3A_223 = arith.constant 0 : i32
          %dma_start3A_224 = tpu.memref_slice %arg7[%dma_start3A_222, %dma_start3A_223] : memref<10240x128xf32, #tpu.memory_space<vmem_shared>> -> memref<10240x128xf32, #tpu.memory_space<vmem_shared>>
          tpu.enqueue_indirect_dma source(%arg12 : memref<80x128xf32, #tpu.memory_space<vmem>>) target(%dma_start3A_224 : memref<10240x128xf32, #tpu.memory_space<vmem_shared>>) offsets(%arg11 : memref<80xi32, #tpu.memory_space<vmem>>) semaphore(%run_scoped3A : memref<!tpu.dma_semaphore, #tpu.memory_space<semaphore_mem>>) {add = true}
          %dma_wait3A_225 = arith.constant 0 : i32
          %dma_wait3A_226 = arith.constant 0 : i32
          %dma_wait3A_227 = tpu.memref_slice %arg7[%dma_wait3A_225, %dma_wait3A_226] : memref<10240x128xf32, #tpu.memory_space<vmem_shared>> -> memref<10240x128xf32, #tpu.memory_space<vmem_shared>>
          tpu.wait_indirect_dma semaphore(%run_scoped3A : memref<!tpu.dma_semaphore, #tpu.memory_space<semaphore_mem>>) src(%arg12 : memref<80x128xf32, #tpu.memory_space<vmem>>) dst(%dma_wait3A_227 : memref<10240x128xf32, #tpu.memory_space<vmem_shared>>)
          tpu.yield
        }) : () -> ()
        %add3A_164 = arith.constant 2 : i32
        %add3A_165 = arith.addi %add3A_109, %add3A_164 : i32
        %mul3A_166 = arith.constant 80 : i32
        %mul3A_167 = arith.muli %add3A_165, %mul3A_166 : i32
        %multiple_of3A_168 = tpu.assume_multiple %mul3A_167, 80 : i32
        %dma_start3A_169 = tpu.memref_slice %arg8[%multiple_of3A_168] : memref<2000xi32, #tpu.memory_space<vmem>> -> memref<80xi32, #tpu.memory_space<vmem>>
        %dma_start3A_170 = arith.constant 0 : i32
        %dma_start3A_171 = arith.constant 0 : i32
        %dma_start3A_172 = tpu.memref_slice %arg5[%dma_start3A_170, %dma_start3A_171] : memref<10000x128xf32, #tpu.memory_space<hbm>> -> memref<10000x128xf32, #tpu.memory_space<hbm>>
        tpu.enqueue_indirect_dma source(%dma_start3A_172 : memref<10000x128xf32, #tpu.memory_space<hbm>>) target(%arg12 : memref<80x128xf32, #tpu.memory_space<vmem>>) offsets(%dma_start3A_169 : memref<80xi32, #tpu.memory_space<vmem>>) semaphore(%arg14 : memref<!tpu.dma_semaphore, #tpu.memory_space<semaphore_mem>>)
        %add3A_173 = arith.constant 1 : i32
        %add3A_174 = arith.addi %add3A_109, %add3A_173 : i32
        %mul3A_175 = arith.constant 80 : i32
        %mul3A_176 = arith.muli %add3A_174, %mul3A_175 : i32
        %multiple_of3A_177 = tpu.assume_multiple %mul3A_176, 80 : i32
        %dma_wait3A_178 = tpu.memref_slice %arg8[%multiple_of3A_177] : memref<2000xi32, #tpu.memory_space<vmem>> -> memref<80xi32, #tpu.memory_space<vmem>>
        %dma_wait3A_179 = arith.constant 0 : i32
        %dma_wait3A_180 = arith.constant 0 : i32
        %dma_wait3A_181 = tpu.memref_slice %arg5[%dma_wait3A_179, %dma_wait3A_180] : memref<10000x128xf32, #tpu.memory_space<hbm>> -> memref<10000x128xf32, #tpu.memory_space<hbm>>
        tpu.wait_indirect_dma semaphore(%arg15 : memref<!tpu.dma_semaphore, #tpu.memory_space<semaphore_mem>>) src(%dma_wait3A_181 : memref<10000x128xf32, #tpu.memory_space<hbm>>) dst(%arg13 : memref<80x128xf32, #tpu.memory_space<vmem>>)
        %add3A_182 = arith.constant 1 : i32
        %add3A_183 = arith.addi %add3A_109, %add3A_182 : i32
        %mul3A_184 = arith.constant 80 : i32
        %mul3A_185 = arith.muli %add3A_183, %mul3A_184 : i32
        %multiple_of3A_186 = tpu.assume_multiple %mul3A_185, 80 : i32
        %add3A_187 = arith.constant 0 : i32
        %add3A_188 = arith.addi %multiple_of3A_186, %add3A_187 : i32
        %get3A_189 = arith.index_cast %add3A_188 : i32 to index
        %get3A_190 = tpu.vector_load %arg9[%get3A_189] {strides = array<i32>} : memref<2000xi32, #tpu.memory_space<vmem>>, vector<16xi32>,
        %swap3A_191 = arith.constant 0 : index
        %swap3A_192 = tpu.vector_load %arg11[%swap3A_191] {strides = array<i32>} : memref<80xi32, #tpu.memory_space<vmem>>, vector<16xi32>,
        tpu.vector_store %arg11[%swap3A_191], %get3A_190 {strides = array<i32>} : memref<80xi32, #tpu.memory_space<vmem>>, vector<16xi32>,
        %add3A_193 = arith.constant 16 : i32
        %add3A_194 = arith.addi %multiple_of3A_186, %add3A_193 : i32
        %get3A_195 = arith.index_cast %add3A_194 : i32 to index
        %get3A_196 = tpu.vector_load %arg9[%get3A_195] {strides = array<i32>} : memref<2000xi32, #tpu.memory_space<vmem>>, vector<16xi32>,
        %swap3A_197 = arith.constant 16 : index
        %swap3A_198 = tpu.vector_load %arg11[%swap3A_197] {strides = array<i32>} : memref<80xi32, #tpu.memory_space<vmem>>, vector<16xi32>,
        tpu.vector_store %arg11[%swap3A_197], %get3A_196 {strides = array<i32>} : memref<80xi32, #tpu.memory_space<vmem>>, vector<16xi32>,
        %add3A_199 = arith.constant 32 : i32
        %add3A_200 = arith.addi %multiple_of3A_186, %add3A_199 : i32
        %get3A_201 = arith.index_cast %add3A_200 : i32 to index
        %get3A_202 = tpu.vector_load %arg9[%get3A_201] {strides = array<i32>} : memref<2000xi32, #tpu.memory_space<vmem>>, vector<16xi32>,
        %swap3A_203 = arith.constant 32 : index
        %swap3A_204 = tpu.vector_load %arg11[%swap3A_203] {strides = array<i32>} : memref<80xi32, #tpu.memory_space<vmem>>, vector<16xi32>,
        tpu.vector_store %arg11[%swap3A_203], %get3A_202 {strides = array<i32>} : memref<80xi32, #tpu.memory_space<vmem>>, vector<16xi32>,
        %add3A_205 = arith.constant 48 : i32
        %add3A_206 = arith.addi %multiple_of3A_186, %add3A_205 : i32
        %get3A_207 = arith.index_cast %add3A_206 : i32 to index
        %get3A_208 = tpu.vector_load %arg9[%get3A_207] {strides = array<i32>} : memref<2000xi32, #tpu.memory_space<vmem>>, vector<16xi32>,
        %swap3A_209 = arith.constant 48 : index
        %swap3A_210 = tpu.vector_load %arg11[%swap3A_209] {strides = array<i32>} : memref<80xi32, #tpu.memory_space<vmem>>, vector<16xi32>,
        tpu.vector_store %arg11[%swap3A_209], %get3A_208 {strides = array<i32>} : memref<80xi32, #tpu.memory_space<vmem>>, vector<16xi32>,
        %add3A_211 = arith.constant 64 : i32
        %add3A_212 = arith.addi %multiple_of3A_186, %add3A_211 : i32
        %get3A_213 = arith.index_cast %add3A_212 : i32 to index
        %get3A_214 = tpu.vector_load %arg9[%get3A_213] {strides = array<i32>} : memref<2000xi32, #tpu.memory_space<vmem>>, vector<16xi32>,
        %swap3A_215 = arith.constant 64 : index
        %swap3A_216 = tpu.vector_load %arg11[%swap3A_215] {strides = array<i32>} : memref<80xi32, #tpu.memory_space<vmem>>, vector<16xi32>,
        tpu.vector_store %arg11[%swap3A_215], %get3A_214 {strides = array<i32>} : memref<80xi32, #tpu.memory_space<vmem>>, vector<16xi32>,
        %scan3A_217 = arith.constant 0 : i32
        %scan3A_218 = arith.constant 80 : i32
        %scan3A_219 = arith.addi %scan3A_217, %scan3A_218 : i32
        %scan3A_220 = arith.constant 1 : i32
        scf.for %scan3A_222 = %scan3A_217 to %scan3A_219 step %scan3A_220  : i32 {
          %mul3A_223 = arith.constant 1 : i32
          %mul3A_224 = arith.muli %scan3A_222, %mul3A_223 : i32
          %add3A_225 = arith.constant 0 : i32
          %add3A_226 = arith.addi %add3A_225, %mul3A_224 : i32
          %add3A_227 = arith.addi %multiple_of3A_186, %add3A_226 : i32
          %broadcast_in_dim3A_228 = vector.broadcast %add3A_227 : i32 to vector<16xi32>
          %gather3A = tpu.vector_load_idx %arg10[%broadcast_in_dim3A_228] : memref<2000xf32, #tpu.memory_space<vmem>>[vector<16xi32>], vector<16xf32>,
          %get3A_229 = arith.index_cast %add3A_226 : i32 to index
          %get3A_230 = arith.constant 0 : index
          %get3A_231 = tpu.vector_load %arg13[%get3A_229, %get3A_230] {strides = array<i32>} : memref<80x128xf32, #tpu.memory_space<vmem>>, vector<16xf32>,
          %mul3A_232 = arith.mulf %get3A_231, %gather3A : vector<16xf32>
          %swap3A_233 = arith.index_cast %add3A_226 : i32 to index
          %swap3A_234 = arith.constant 0 : index
          %swap3A_235 = tpu.vector_load %arg13[%swap3A_233, %swap3A_234] {strides = array<i32>} : memref<80x128xf32, #tpu.memory_space<vmem>>, vector<16xf32>,
          tpu.vector_store %arg13[%swap3A_233, %swap3A_234], %mul3A_232 {strides = array<i32>} : memref<80x128xf32, #tpu.memory_space<vmem>>, vector<16xf32>,
          %get3A_236 = arith.index_cast %add3A_226 : i32 to index
          %get3A_237 = arith.constant 16 : index
          %get3A_238 = tpu.vector_load %arg13[%get3A_236, %get3A_237] {strides = array<i32>} : memref<80x128xf32, #tpu.memory_space<vmem>>, vector<16xf32>,
          %mul3A_239 = arith.mulf %get3A_238, %gather3A : vector<16xf32>
          %swap3A_240 = arith.index_cast %add3A_226 : i32 to index
          %swap3A_241 = arith.constant 16 : index
          %swap3A_242 = tpu.vector_load %arg13[%swap3A_240, %swap3A_241] {strides = array<i32>} : memref<80x128xf32, #tpu.memory_space<vmem>>, vector<16xf32>,
          tpu.vector_store %arg13[%swap3A_240, %swap3A_241], %mul3A_239 {strides = array<i32>} : memref<80x128xf32, #tpu.memory_space<vmem>>, vector<16xf32>,
          %get3A_243 = arith.index_cast %add3A_226 : i32 to index
          %get3A_244 = arith.constant 32 : index
          %get3A_245 = tpu.vector_load %arg13[%get3A_243, %get3A_244] {strides = array<i32>} : memref<80x128xf32, #tpu.memory_space<vmem>>, vector<16xf32>,
          %mul3A_246 = arith.mulf %get3A_245, %gather3A : vector<16xf32>
          %swap3A_247 = arith.index_cast %add3A_226 : i32 to index
          %swap3A_248 = arith.constant 32 : index
          %swap3A_249 = tpu.vector_load %arg13[%swap3A_247, %swap3A_248] {strides = array<i32>} : memref<80x128xf32, #tpu.memory_space<vmem>>, vector<16xf32>,
          tpu.vector_store %arg13[%swap3A_247, %swap3A_248], %mul3A_246 {strides = array<i32>} : memref<80x128xf32, #tpu.memory_space<vmem>>, vector<16xf32>,
          %get3A_250 = arith.index_cast %add3A_226 : i32 to index
          %get3A_251 = arith.constant 48 : index
          %get3A_252 = tpu.vector_load %arg13[%get3A_250, %get3A_251] {strides = array<i32>} : memref<80x128xf32, #tpu.memory_space<vmem>>, vector<16xf32>,
          %mul3A_253 = arith.mulf %get3A_252, %gather3A : vector<16xf32>
          %swap3A_254 = arith.index_cast %add3A_226 : i32 to index
          %swap3A_255 = arith.constant 48 : index
          %swap3A_256 = tpu.vector_load %arg13[%swap3A_254, %swap3A_255] {strides = array<i32>} : memref<80x128xf32, #tpu.memory_space<vmem>>, vector<16xf32>,
          tpu.vector_store %arg13[%swap3A_254, %swap3A_255], %mul3A_253 {strides = array<i32>} : memref<80x128xf32, #tpu.memory_space<vmem>>, vector<16xf32>,
          %get3A_257 = arith.index_cast %add3A_226 : i32 to index
          %get3A_258 = arith.constant 64 : index
          %get3A_259 = tpu.vector_load %arg13[%get3A_257, %get3A_258] {strides = array<i32>} : memref<80x128xf32, #tpu.memory_space<vmem>>, vector<16xf32>,
          %mul3A_260 = arith.mulf %get3A_259, %gather3A : vector<16xf32>
          %swap3A_261 = arith.index_cast %add3A_226 : i32 to index
          %swap3A_262 = arith.constant 64 : index
          %swap3A_263 = tpu.vector_load %arg13[%swap3A_261, %swap3A_262] {strides = array<i32>} : memref<80x128xf32, #tpu.memory_space<vmem>>, vector<16xf32>,
          tpu.vector_store %arg13[%swap3A_261, %swap3A_262], %mul3A_260 {strides = array<i32>} : memref<80x128xf32, #tpu.memory_space<vmem>>, vector<16xf32>,
          %get3A_264 = arith.index_cast %add3A_226 : i32 to index
          %get3A_265 = arith.constant 80 : index
          %get3A_266 = tpu.vector_load %arg13[%get3A_264, %get3A_265] {strides = array<i32>} : memref<80x128xf32, #tpu.memory_space<vmem>>, vector<16xf32>,
          %mul3A_267 = arith.mulf %get3A_266, %gather3A : vector<16xf32>
          %swap3A_268 = arith.index_cast %add3A_226 : i32 to index
          %swap3A_269 = arith.constant 80 : index
          %swap3A_270 = tpu.vector_load %arg13[%swap3A_268, %swap3A_269] {strides = array<i32>} : memref<80x128xf32, #tpu.memory_space<vmem>>, vector<16xf32>,
          tpu.vector_store %arg13[%swap3A_268, %swap3A_269], %mul3A_267 {strides = array<i32>} : memref<80x128xf32, #tpu.memory_space<vmem>>, vector<16xf32>,
          %get3A_271 = arith.index_cast %add3A_226 : i32 to index
          %get3A_272 = arith.constant 96 : index
          %get3A_273 = tpu.vector_load %arg13[%get3A_271, %get3A_272] {strides = array<i32>} : memref<80x128xf32, #tpu.memory_space<vmem>>, vector<16xf32>,
          %mul3A_274 = arith.mulf %get3A_273, %gather3A : vector<16xf32>
          %swap3A_275 = arith.index_cast %add3A_226 : i32 to index
          %swap3A_276 = arith.constant 96 : index
          %swap3A_277 = tpu.vector_load %arg13[%swap3A_275, %swap3A_276] {strides = array<i32>} : memref<80x128xf32, #tpu.memory_space<vmem>>, vector<16xf32>,
          tpu.vector_store %arg13[%swap3A_275, %swap3A_276], %mul3A_274 {strides = array<i32>} : memref<80x128xf32, #tpu.memory_space<vmem>>, vector<16xf32>,
          %get3A_278 = arith.index_cast %add3A_226 : i32 to index
          %get3A_279 = arith.constant 112 : index
          %get3A_280 = tpu.vector_load %arg13[%get3A_278, %get3A_279] {strides = array<i32>} : memref<80x128xf32, #tpu.memory_space<vmem>>, vector<16xf32>,
          %mul3A_281 = arith.mulf %get3A_280, %gather3A : vector<16xf32>
          %swap3A_282 = arith.index_cast %add3A_226 : i32 to index
          %swap3A_283 = arith.constant 112 : index
          %swap3A_284 = tpu.vector_load %arg13[%swap3A_282, %swap3A_283] {strides = array<i32>} : memref<80x128xf32, #tpu.memory_space<vmem>>, vector<16xf32>,
          tpu.vector_store %arg13[%swap3A_282, %swap3A_283], %mul3A_281 {strides = array<i32>} : memref<80x128xf32, #tpu.memory_space<vmem>>, vector<16xf32>,
        }
        %scan3A_221 = arith.constant 80 : i32
        "tpu.region"() ({
          %run_scoped3A = tpu.sem_alloc : memref<!tpu.dma_semaphore, #tpu.memory_space<semaphore_mem>>
          %dma_start3A_222 = arith.constant 0 : i32
          %dma_start3A_223 = arith.constant 0 : i32
          %dma_start3A_224 = tpu.memref_slice %arg7[%dma_start3A_222, %dma_start3A_223] : memref<10240x128xf32, #tpu.memory_space<vmem_shared>> -> memref<10240x128xf32, #tpu.memory_space<vmem_shared>>
          tpu.enqueue_indirect_dma source(%arg13 : memref<80x128xf32, #tpu.memory_space<vmem>>) target(%dma_start3A_224 : memref<10240x128xf32, #tpu.memory_space<vmem_shared>>) offsets(%arg11 : memref<80xi32, #tpu.memory_space<vmem>>) semaphore(%run_scoped3A : memref<!tpu.dma_semaphore, #tpu.memory_space<semaphore_mem>>) {add = true}
          %dma_wait3A_225 = arith.constant 0 : i32
          %dma_wait3A_226 = arith.constant 0 : i32
          %dma_wait3A_227 = tpu.memref_slice %arg7[%dma_wait3A_225, %dma_wait3A_226] : memref<10240x128xf32, #tpu.memory_space<vmem_shared>> -> memref<10240x128xf32, #tpu.memory_space<vmem_shared>>
          tpu.wait_indirect_dma semaphore(%run_scoped3A : memref<!tpu.dma_semaphore, #tpu.memory_space<semaphore_mem>>) src(%arg13 : memref<80x128xf32, #tpu.memory_space<vmem>>) dst(%dma_wait3A_227 : memref<10240x128xf32, #tpu.memory_space<vmem_shared>>)
          tpu.yield
        }) : () -> ()
      }
      %scan3A_64 = arith.constant 12 : i32
      %multiple_of3A_65 = arith.constant 1920 : i32
      %multiple_of3A_66 = tpu.assume_multiple %multiple_of3A_65, 80 : i32
      %dma_wait3A = tpu.memref_slice %arg8[%multiple_of3A_66] : memref<2000xi32, #tpu.memory_space<vmem>> -> memref<80xi32, #tpu.memory_space<vmem>>
      %dma_wait3A_67 = arith.constant 0 : i32
      %dma_wait3A_68 = arith.constant 0 : i32
      %dma_wait3A_69 = tpu.memref_slice %arg5[%dma_wait3A_67, %dma_wait3A_68] : memref<10000x128xf32, #tpu.memory_space<hbm>> -> memref<10000x128xf32, #tpu.memory_space<hbm>>
      tpu.wait_indirect_dma semaphore(%arg14 : memref<!tpu.dma_semaphore, #tpu.memory_space<semaphore_mem>>) src(%dma_wait3A_69 : memref<10000x128xf32, #tpu.memory_space<hbm>>) dst(%arg12 : memref<80x128xf32, #tpu.memory_space<vmem>>)
      %multiple_of3A_70 = arith.constant 1920 : i32
      %multiple_of3A_71 = tpu.assume_multiple %multiple_of3A_70, 80 : i32
      %add3A_72 = arith.constant 0 : i32
      %add3A_73 = arith.addi %multiple_of3A_71, %add3A_72 : i32
      %get3A = arith.index_cast %add3A_73 : i32 to index
      %get3A_74 = tpu.vector_load %arg9[%get3A] {strides = array<i32>} : memref<2000xi32, #tpu.memory_space<vmem>>, vector<16xi32>,
      %swap3A = arith.constant 0 : index
      %swap3A_75 = tpu.vector_load %arg11[%swap3A] {strides = array<i32>} : memref<80xi32, #tpu.memory_space<vmem>>, vector<16xi32>,
      tpu.vector_store %arg11[%swap3A], %get3A_74 {strides = array<i32>} : memref<80xi32, #tpu.memory_space<vmem>>, vector<16xi32>,
      %add3A_76 = arith.constant 16 : i32
      %add3A_77 = arith.addi %multiple_of3A_71, %add3A_76 : i32
      %get3A_78 = arith.index_cast %add3A_77 : i32 to index
      %get3A_79 = tpu.vector_load %arg9[%get3A_78] {strides = array<i32>} : memref<2000xi32, #tpu.memory_space<vmem>>, vector<16xi32>,
      %swap3A_80 = arith.constant 16 : index
      %swap3A_81 = tpu.vector_load %arg11[%swap3A_80] {strides = array<i32>} : memref<80xi32, #tpu.memory_space<vmem>>, vector<16xi32>,
      tpu.vector_store %arg11[%swap3A_80], %get3A_79 {strides = array<i32>} : memref<80xi32, #tpu.memory_space<vmem>>, vector<16xi32>,
      %add3A_82 = arith.constant 32 : i32
      %add3A_83 = arith.addi %multiple_of3A_71, %add3A_82 : i32
      %get3A_84 = arith.index_cast %add3A_83 : i32 to index
      %get3A_85 = tpu.vector_load %arg9[%get3A_84] {strides = array<i32>} : memref<2000xi32, #tpu.memory_space<vmem>>, vector<16xi32>,
      %swap3A_86 = arith.constant 32 : index
      %swap3A_87 = tpu.vector_load %arg11[%swap3A_86] {strides = array<i32>} : memref<80xi32, #tpu.memory_space<vmem>>, vector<16xi32>,
      tpu.vector_store %arg11[%swap3A_86], %get3A_85 {strides = array<i32>} : memref<80xi32, #tpu.memory_space<vmem>>, vector<16xi32>,
      %add3A_88 = arith.constant 48 : i32
      %add3A_89 = arith.addi %multiple_of3A_71, %add3A_88 : i32
      %get3A_90 = arith.index_cast %add3A_89 : i32 to index
      %get3A_91 = tpu.vector_load %arg9[%get3A_90] {strides = array<i32>} : memref<2000xi32, #tpu.memory_space<vmem>>, vector<16xi32>,
      %swap3A_92 = arith.constant 48 : index
      %swap3A_93 = tpu.vector_load %arg11[%swap3A_92] {strides = array<i32>} : memref<80xi32, #tpu.memory_space<vmem>>, vector<16xi32>,
      tpu.vector_store %arg11[%swap3A_92], %get3A_91 {strides = array<i32>} : memref<80xi32, #tpu.memory_space<vmem>>, vector<16xi32>,
      %add3A_94 = arith.constant 64 : i32
      %add3A_95 = arith.addi %multiple_of3A_71, %add3A_94 : i32
      %get3A_96 = arith.index_cast %add3A_95 : i32 to index
      %get3A_97 = tpu.vector_load %arg9[%get3A_96] {strides = array<i32>} : memref<2000xi32, #tpu.memory_space<vmem>>, vector<16xi32>,
      %swap3A_98 = arith.constant 64 : index
      %swap3A_99 = tpu.vector_load %arg11[%swap3A_98] {strides = array<i32>} : memref<80xi32, #tpu.memory_space<vmem>>, vector<16xi32>,
      tpu.vector_store %arg11[%swap3A_98], %get3A_97 {strides = array<i32>} : memref<80xi32, #tpu.memory_space<vmem>>, vector<16xi32>,
      %scan3A_100 = arith.constant 0 : i32
      %scan3A_101 = arith.constant 80 : i32
      %scan3A_102 = arith.addi %scan3A_100, %scan3A_101 : i32
      %scan3A_103 = arith.constant 1 : i32
      scf.for %scan3A_105 = %scan3A_100 to %scan3A_102 step %scan3A_103  : i32 {
        %mul3A_106 = arith.constant 1 : i32
        %mul3A_107 = arith.muli %scan3A_105, %mul3A_106 : i32
        %add3A_108 = arith.constant 0 : i32
        %add3A_109 = arith.addi %add3A_108, %mul3A_107 : i32
        %add3A_110 = arith.addi %multiple_of3A_71, %add3A_109 : i32
        %broadcast_in_dim3A_111 = vector.broadcast %add3A_110 : i32 to vector<16xi32>
        %gather3A = tpu.vector_load_idx %arg10[%broadcast_in_dim3A_111] : memref<2000xf32, #tpu.memory_space<vmem>>[vector<16xi32>], vector<16xf32>,
        %get3A_112 = arith.index_cast %add3A_109 : i32 to index
        %get3A_113 = arith.constant 0 : index
        %get3A_114 = tpu.vector_load %arg12[%get3A_112, %get3A_113] {strides = array<i32>} : memref<80x128xf32, #tpu.memory_space<vmem>>, vector<16xf32>,
        %mul3A_115 = arith.mulf %get3A_114, %gather3A : vector<16xf32>
        %swap3A_116 = arith.index_cast %add3A_109 : i32 to index
        %swap3A_117 = arith.constant 0 : index
        %swap3A_118 = tpu.vector_load %arg12[%swap3A_116, %swap3A_117] {strides = array<i32>} : memref<80x128xf32, #tpu.memory_space<vmem>>, vector<16xf32>,
        tpu.vector_store %arg12[%swap3A_116, %swap3A_117], %mul3A_115 {strides = array<i32>} : memref<80x128xf32, #tpu.memory_space<vmem>>, vector<16xf32>,
        %get3A_119 = arith.index_cast %add3A_109 : i32 to index
        %get3A_120 = arith.constant 16 : index
        %get3A_121 = tpu.vector_load %arg12[%get3A_119, %get3A_120] {strides = array<i32>} : memref<80x128xf32, #tpu.memory_space<vmem>>, vector<16xf32>,
        %mul3A_122 = arith.mulf %get3A_121, %gather3A : vector<16xf32>
        %swap3A_123 = arith.index_cast %add3A_109 : i32 to index
        %swap3A_124 = arith.constant 16 : index
        %swap3A_125 = tpu.vector_load %arg12[%swap3A_123, %swap3A_124] {strides = array<i32>} : memref<80x128xf32, #tpu.memory_space<vmem>>, vector<16xf32>,
        tpu.vector_store %arg12[%swap3A_123, %swap3A_124], %mul3A_122 {strides = array<i32>} : memref<80x128xf32, #tpu.memory_space<vmem>>, vector<16xf32>,
        %get3A_126 = arith.index_cast %add3A_109 : i32 to index
        %get3A_127 = arith.constant 32 : index
        %get3A_128 = tpu.vector_load %arg12[%get3A_126, %get3A_127] {strides = array<i32>} : memref<80x128xf32, #tpu.memory_space<vmem>>, vector<16xf32>,
        %mul3A_129 = arith.mulf %get3A_128, %gather3A : vector<16xf32>
        %swap3A_130 = arith.index_cast %add3A_109 : i32 to index
        %swap3A_131 = arith.constant 32 : index
        %swap3A_132 = tpu.vector_load %arg12[%swap3A_130, %swap3A_131] {strides = array<i32>} : memref<80x128xf32, #tpu.memory_space<vmem>>, vector<16xf32>,
        tpu.vector_store %arg12[%swap3A_130, %swap3A_131], %mul3A_129 {strides = array<i32>} : memref<80x128xf32, #tpu.memory_space<vmem>>, vector<16xf32>,
        %get3A_133 = arith.index_cast %add3A_109 : i32 to index
        %get3A_134 = arith.constant 48 : index
        %get3A_135 = tpu.vector_load %arg12[%get3A_133, %get3A_134] {strides = array<i32>} : memref<80x128xf32, #tpu.memory_space<vmem>>, vector<16xf32>,
        %mul3A_136 = arith.mulf %get3A_135, %gather3A : vector<16xf32>
        %swap3A_137 = arith.index_cast %add3A_109 : i32 to index
        %swap3A_138 = arith.constant 48 : index
        %swap3A_139 = tpu.vector_load %arg12[%swap3A_137, %swap3A_138] {strides = array<i32>} : memref<80x128xf32, #tpu.memory_space<vmem>>, vector<16xf32>,
        tpu.vector_store %arg12[%swap3A_137, %swap3A_138], %mul3A_136 {strides = array<i32>} : memref<80x128xf32, #tpu.memory_space<vmem>>, vector<16xf32>,
        %get3A_140 = arith.index_cast %add3A_109 : i32 to index
        %get3A_141 = arith.constant 64 : index
        %get3A_142 = tpu.vector_load %arg12[%get3A_140, %get3A_141] {strides = array<i32>} : memref<80x128xf32, #tpu.memory_space<vmem>>, vector<16xf32>,
        %mul3A_143 = arith.mulf %get3A_142, %gather3A : vector<16xf32>
        %swap3A_144 = arith.index_cast %add3A_109 : i32 to index
        %swap3A_145 = arith.constant 64 : index
        %swap3A_146 = tpu.vector_load %arg12[%swap3A_144, %swap3A_145] {strides = array<i32>} : memref<80x128xf32, #tpu.memory_space<vmem>>, vector<16xf32>,
        tpu.vector_store %arg12[%swap3A_144, %swap3A_145], %mul3A_143 {strides = array<i32>} : memref<80x128xf32, #tpu.memory_space<vmem>>, vector<16xf32>,
        %get3A_147 = arith.index_cast %add3A_109 : i32 to index
        %get3A_148 = arith.constant 80 : index
        %get3A_149 = tpu.vector_load %arg12[%get3A_147, %get3A_148] {strides = array<i32>} : memref<80x128xf32, #tpu.memory_space<vmem>>, vector<16xf32>,
        %mul3A_150 = arith.mulf %get3A_149, %gather3A : vector<16xf32>
        %swap3A_151 = arith.index_cast %add3A_109 : i32 to index
        %swap3A_152 = arith.constant 80 : index
        %swap3A_153 = tpu.vector_load %arg12[%swap3A_151, %swap3A_152] {strides = array<i32>} : memref<80x128xf32, #tpu.memory_space<vmem>>, vector<16xf32>,
        tpu.vector_store %arg12[%swap3A_151, %swap3A_152], %mul3A_150 {strides = array<i32>} : memref<80x128xf32, #tpu.memory_space<vmem>>, vector<16xf32>,
        %get3A_154 = arith.index_cast %add3A_109 : i32 to index
        %get3A_155 = arith.constant 96 : index
        %get3A_156 = tpu.vector_load %arg12[%get3A_154, %get3A_155] {strides = array<i32>} : memref<80x128xf32, #tpu.memory_space<vmem>>, vector<16xf32>,
        %mul3A_157 = arith.mulf %get3A_156, %gather3A : vector<16xf32>
        %swap3A_158 = arith.index_cast %add3A_109 : i32 to index
        %swap3A_159 = arith.constant 96 : index
        %swap3A_160 = tpu.vector_load %arg12[%swap3A_158, %swap3A_159] {strides = array<i32>} : memref<80x128xf32, #tpu.memory_space<vmem>>, vector<16xf32>,
        tpu.vector_store %arg12[%swap3A_158, %swap3A_159], %mul3A_157 {strides = array<i32>} : memref<80x128xf32, #tpu.memory_space<vmem>>, vector<16xf32>,
        %get3A_161 = arith.index_cast %add3A_109 : i32 to index
        %get3A_162 = arith.constant 112 : index
        %get3A_163 = tpu.vector_load %arg12[%get3A_161, %get3A_162] {strides = array<i32>} : memref<80x128xf32, #tpu.memory_space<vmem>>, vector<16xf32>,
        %mul3A_164 = arith.mulf %get3A_163, %gather3A : vector<16xf32>
        %swap3A_165 = arith.index_cast %add3A_109 : i32 to index
        %swap3A_166 = arith.constant 112 : index
        %swap3A_167 = tpu.vector_load %arg12[%swap3A_165, %swap3A_166] {strides = array<i32>} : memref<80x128xf32, #tpu.memory_space<vmem>>, vector<16xf32>,
        tpu.vector_store %arg12[%swap3A_165, %swap3A_166], %mul3A_164 {strides = array<i32>} : memref<80x128xf32, #tpu.memory_space<vmem>>, vector<16xf32>,
      }
      %scan3A_104 = arith.constant 80 : i32
      "tpu.region"() ({
        %run_scoped3A = tpu.sem_alloc : memref<!tpu.dma_semaphore, #tpu.memory_space<semaphore_mem>>
        %dma_start3A_105 = arith.constant 0 : i32
        %dma_start3A_106 = arith.constant 0 : i32
        %dma_start3A_107 = tpu.memref_slice %arg7[%dma_start3A_105, %dma_start3A_106] : memref<10240x128xf32, #tpu.memory_space<vmem_shared>> -> memref<10240x128xf32, #tpu.memory_space<vmem_shared>>
        tpu.enqueue_indirect_dma source(%arg12 : memref<80x128xf32, #tpu.memory_space<vmem>>) target(%dma_start3A_107 : memref<10240x128xf32, #tpu.memory_space<vmem_shared>>) offsets(%arg11 : memref<80xi32, #tpu.memory_space<vmem>>) semaphore(%run_scoped3A : memref<!tpu.dma_semaphore, #tpu.memory_space<semaphore_mem>>) {add = true}
        %dma_wait3A_108 = arith.constant 0 : i32
        %dma_wait3A_109 = arith.constant 0 : i32
        %dma_wait3A_110 = tpu.memref_slice %arg7[%dma_wait3A_108, %dma_wait3A_109] : memref<10240x128xf32, #tpu.memory_space<vmem_shared>> -> memref<10240x128xf32, #tpu.memory_space<vmem_shared>>
        tpu.wait_indirect_dma semaphore(%run_scoped3A : memref<!tpu.dma_semaphore, #tpu.memory_space<semaphore_mem>>) src(%arg12 : memref<80x128xf32, #tpu.memory_space<vmem>>) dst(%dma_wait3A_110 : memref<10240x128xf32, #tpu.memory_space<vmem_shared>>)
        tpu.yield
      }) : () -> ()
    }
    %scan3A_30 = arith.constant 5 : i32
    %barrier3A_31 = arith.constant 0 : index
    tpu.barrier barrier_id(%barrier3A_31)
    %add3A_32 = arith.constant 0 : i32
    %add3A_33 = arith.addi %mul3A_7, %add3A_32 : i32
    "tpu.region"() ({
      %run_scoped3A = tpu.sem_alloc : memref<!tpu.dma_semaphore, #tpu.memory_space<semaphore_mem>>
      %dma_start3A = arith.constant 0 : i32
      %dma_start3A_48 = tpu.memref_slice %arg6[%arg0, %add3A_33, %dma_start3A] : memref<2x10240x128xf32, #tpu.memory_space<hbm>> -> memref<1x80x128xf32, #tpu.memory_space<hbm>>
      %dma_start3A_49 = tpu.memref_squeeze %dma_start3A_48 : memref<1x80x128xf32, #tpu.memory_space<hbm>> -> memref<80x128xf32, #tpu.memory_space<hbm>>
      %dma_start3A_50 = arith.constant 0 : i32
      %dma_start3A_51 = tpu.memref_slice %arg7[%add3A_33, %dma_start3A_50] : memref<10240x128xf32, #tpu.memory_space<vmem_shared>> -> memref<80x128xf32, #tpu.memory_space<vmem_shared>>
      tpu.enqueue_dma source(%dma_start3A_51 : memref<80x128xf32, #tpu.memory_space<vmem_shared>>) target(%dma_start3A_49 : memref<80x128xf32, #tpu.memory_space<hbm>>) target_semaphore(%run_scoped3A : memref<!tpu.dma_semaphore, #tpu.memory_space<semaphore_mem>>)
      %dma_wait3A = arith.constant 0 : i32
      %dma_wait3A_52 = tpu.memref_slice %arg6[%arg0, %add3A_33, %dma_wait3A] : memref<2x10240x128xf32, #tpu.memory_space<hbm>> -> memref<1x80x128xf32, #tpu.memory_space<hbm>>
      %dma_wait3A_53 = tpu.memref_squeeze %dma_wait3A_52 : memref<1x80x128xf32, #tpu.memory_space<hbm>> -> memref<80x128xf32, #tpu.memory_space<hbm>>
      %dma_wait3A_54 = arith.constant 0 : i32
      %dma_wait3A_55 = tpu.memref_slice %arg7[%add3A_33, %dma_wait3A_54] : memref<10240x128xf32, #tpu.memory_space<vmem_shared>> -> memref<80x128xf32, #tpu.memory_space<vmem_shared>>
      tpu.wait_dma2 semaphore(%run_scoped3A : memref<!tpu.dma_semaphore, #tpu.memory_space<semaphore_mem>>) src(%dma_wait3A_55 : memref<80x128xf32, #tpu.memory_space<vmem_shared>>) dst(%dma_wait3A_53 : memref<80x128xf32, #tpu.memory_space<hbm>>)
      tpu.yield
    }) : () -> ()
    %add3A_34 = arith.constant 80 : i32
    %add3A_35 = arith.addi %mul3A_7, %add3A_34 : i32
    "tpu.region"() ({
      %run_scoped3A = tpu.sem_alloc : memref<!tpu.dma_semaphore, #tpu.memory_space<semaphore_mem>>
      %dma_start3A = arith.constant 0 : i32
      %dma_start3A_48 = tpu.memref_slice %arg6[%arg0, %add3A_35, %dma_start3A] : memref<2x10240x128xf32, #tpu.memory_space<hbm>> -> memref<1x80x128xf32, #tpu.memory_space<hbm>>
      %dma_start3A_49 = tpu.memref_squeeze %dma_start3A_48 : memref<1x80x128xf32, #tpu.memory_space<hbm>> -> memref<80x128xf32, #tpu.memory_space<hbm>>
      %dma_start3A_50 = arith.constant 0 : i32
      %dma_start3A_51 = tpu.memref_slice %arg7[%add3A_35, %dma_start3A_50] : memref<10240x128xf32, #tpu.memory_space<vmem_shared>> -> memref<80x128xf32, #tpu.memory_space<vmem_shared>>
      tpu.enqueue_dma source(%dma_start3A_51 : memref<80x128xf32, #tpu.memory_space<vmem_shared>>) target(%dma_start3A_49 : memref<80x128xf32, #tpu.memory_space<hbm>>) target_semaphore(%run_scoped3A : memref<!tpu.dma_semaphore, #tpu.memory_space<semaphore_mem>>)
      %dma_wait3A = arith.constant 0 : i32
      %dma_wait3A_52 = tpu.memref_slice %arg6[%arg0, %add3A_35, %dma_wait3A] : memref<2x10240x128xf32, #tpu.memory_space<hbm>> -> memref<1x80x128xf32, #tpu.memory_space<hbm>>
      %dma_wait3A_53 = tpu.memref_squeeze %dma_wait3A_52 : memref<1x80x128xf32, #tpu.memory_space<hbm>> -> memref<80x128xf32, #tpu.memory_space<hbm>>
      %dma_wait3A_54 = arith.constant 0 : i32
      %dma_wait3A_55 = tpu.memref_slice %arg7[%add3A_35, %dma_wait3A_54] : memref<10240x128xf32, #tpu.memory_space<vmem_shared>> -> memref<80x128xf32, #tpu.memory_space<vmem_shared>>
      tpu.wait_dma2 semaphore(%run_scoped3A : memref<!tpu.dma_semaphore, #tpu.memory_space<semaphore_mem>>) src(%dma_wait3A_55 : memref<80x128xf32, #tpu.memory_space<vmem_shared>>) dst(%dma_wait3A_53 : memref<80x128xf32, #tpu.memory_space<hbm>>)
      tpu.yield
    }) : () -> ()
    %add3A_36 = arith.constant 160 : i32
    %add3A_37 = arith.addi %mul3A_7, %add3A_36 : i32
    "tpu.region"() ({
      %run_scoped3A = tpu.sem_alloc : memref<!tpu.dma_semaphore, #tpu.memory_space<semaphore_mem>>
      %dma_start3A = arith.constant 0 : i32
      %dma_start3A_48 = tpu.memref_slice %arg6[%arg0, %add3A_37, %dma_start3A] : memref<2x10240x128xf32, #tpu.memory_space<hbm>> -> memref<1x80x128xf32, #tpu.memory_space<hbm>>
      %dma_start3A_49 = tpu.memref_squeeze %dma_start3A_48 : memref<1x80x128xf32, #tpu.memory_space<hbm>> -> memref<80x128xf32, #tpu.memory_space<hbm>>
      %dma_start3A_50 = arith.constant 0 : i32
      %dma_start3A_51 = tpu.memref_slice %arg7[%add3A_37, %dma_start3A_50] : memref<10240x128xf32, #tpu.memory_space<vmem_shared>> -> memref<80x128xf32, #tpu.memory_space<vmem_shared>>
      tpu.enqueue_dma source(%dma_start3A_51 : memref<80x128xf32, #tpu.memory_space<vmem_shared>>) target(%dma_start3A_49 : memref<80x128xf32, #tpu.memory_space<hbm>>) target_semaphore(%run_scoped3A : memref<!tpu.dma_semaphore, #tpu.memory_space<semaphore_mem>>)
      %dma_wait3A = arith.constant 0 : i32
      %dma_wait3A_52 = tpu.memref_slice %arg6[%arg0, %add3A_37, %dma_wait3A] : memref<2x10240x128xf32, #tpu.memory_space<hbm>> -> memref<1x80x128xf32, #tpu.memory_space<hbm>>
      %dma_wait3A_53 = tpu.memref_squeeze %dma_wait3A_52 : memref<1x80x128xf32, #tpu.memory_space<hbm>> -> memref<80x128xf32, #tpu.memory_space<hbm>>
      %dma_wait3A_54 = arith.constant 0 : i32
      %dma_wait3A_55 = tpu.memref_slice %arg7[%add3A_37, %dma_wait3A_54] : memref<10240x128xf32, #tpu.memory_space<vmem_shared>> -> memref<80x128xf32, #tpu.memory_space<vmem_shared>>
      tpu.wait_dma2 semaphore(%run_scoped3A : memref<!tpu.dma_semaphore, #tpu.memory_space<semaphore_mem>>) src(%dma_wait3A_55 : memref<80x128xf32, #tpu.memory_space<vmem_shared>>) dst(%dma_wait3A_53 : memref<80x128xf32, #tpu.memory_space<hbm>>)
      tpu.yield
    }) : () -> ()
    %add3A_38 = arith.constant 240 : i32
    %add3A_39 = arith.addi %mul3A_7, %add3A_38 : i32
    "tpu.region"() ({
      %run_scoped3A = tpu.sem_alloc : memref<!tpu.dma_semaphore, #tpu.memory_space<semaphore_mem>>
      %dma_start3A = arith.constant 0 : i32
      %dma_start3A_48 = tpu.memref_slice %arg6[%arg0, %add3A_39, %dma_start3A] : memref<2x10240x128xf32, #tpu.memory_space<hbm>> -> memref<1x80x128xf32, #tpu.memory_space<hbm>>
      %dma_start3A_49 = tpu.memref_squeeze %dma_start3A_48 : memref<1x80x128xf32, #tpu.memory_space<hbm>> -> memref<80x128xf32, #tpu.memory_space<hbm>>
      %dma_start3A_50 = arith.constant 0 : i32
      %dma_start3A_51 = tpu.memref_slice %arg7[%add3A_39, %dma_start3A_50] : memref<10240x128xf32, #tpu.memory_space<vmem_shared>> -> memref<80x128xf32, #tpu.memory_space<vmem_shared>>
      tpu.enqueue_dma source(%dma_start3A_51 : memref<80x128xf32, #tpu.memory_space<vmem_shared>>) target(%dma_start3A_49 : memref<80x128xf32, #tpu.memory_space<hbm>>) target_semaphore(%run_scoped3A : memref<!tpu.dma_semaphore, #tpu.memory_space<semaphore_mem>>)
      %dma_wait3A = arith.constant 0 : i32
      %dma_wait3A_52 = tpu.memref_slice %arg6[%arg0, %add3A_39, %dma_wait3A] : memref<2x10240x128xf32, #tpu.memory_space<hbm>> -> memref<1x80x128xf32, #tpu.memory_space<hbm>>
      %dma_wait3A_53 = tpu.memref_squeeze %dma_wait3A_52 : memref<1x80x128xf32, #tpu.memory_space<hbm>> -> memref<80x128xf32, #tpu.memory_space<hbm>>
      %dma_wait3A_54 = arith.constant 0 : i32
      %dma_wait3A_55 = tpu.memref_slice %arg7[%add3A_39, %dma_wait3A_54] : memref<10240x128xf32, #tpu.memory_space<vmem_shared>> -> memref<80x128xf32, #tpu.memory_space<vmem_shared>>
      tpu.wait_dma2 semaphore(%run_scoped3A : memref<!tpu.dma_semaphore, #tpu.memory_space<semaphore_mem>>) src(%dma_wait3A_55 : memref<80x128xf32, #tpu.memory_space<vmem_shared>>) dst(%dma_wait3A_53 : memref<80x128xf32, #tpu.memory_space<hbm>>)
      tpu.yield
    }) : () -> ()
    %add3A_40 = arith.constant 320 : i32
    %add3A_41 = arith.addi %mul3A_7, %add3A_40 : i32
    "tpu.region"() ({
      %run_scoped3A = tpu.sem_alloc : memref<!tpu.dma_semaphore, #tpu.memory_space<semaphore_mem>>
      %dma_start3A = arith.constant 0 : i32
      %dma_start3A_48 = tpu.memref_slice %arg6[%arg0, %add3A_41, %dma_start3A] : memref<2x10240x128xf32, #tpu.memory_space<hbm>> -> memref<1x80x128xf32, #tpu.memory_space<hbm>>
      %dma_start3A_49 = tpu.memref_squeeze %dma_start3A_48 : memref<1x80x128xf32, #tpu.memory_space<hbm>> -> memref<80x128xf32, #tpu.memory_space<hbm>>
      %dma_start3A_50 = arith.constant 0 : i32
      %dma_start3A_51 = tpu.memref_slice %arg7[%add3A_41, %dma_start3A_50] : memref<10240x128xf32, #tpu.memory_space<vmem_shared>> -> memref<80x128xf32, #tpu.memory_space<vmem_shared>>
      tpu.enqueue_dma source(%dma_start3A_51 : memref<80x128xf32, #tpu.memory_space<vmem_shared>>) target(%dma_start3A_49 : memref<80x128xf32, #tpu.memory_space<hbm>>) target_semaphore(%run_scoped3A : memref<!tpu.dma_semaphore, #tpu.memory_space<semaphore_mem>>)
      %dma_wait3A = arith.constant 0 : i32
      %dma_wait3A_52 = tpu.memref_slice %arg6[%arg0, %add3A_41, %dma_wait3A] : memref<2x10240x128xf32, #tpu.memory_space<hbm>> -> memref<1x80x128xf32, #tpu.memory_space<hbm>>
      %dma_wait3A_53 = tpu.memref_squeeze %dma_wait3A_52 : memref<1x80x128xf32, #tpu.memory_space<hbm>> -> memref<80x128xf32, #tpu.memory_space<hbm>>
      %dma_wait3A_54 = arith.constant 0 : i32
      %dma_wait3A_55 = tpu.memref_slice %arg7[%add3A_41, %dma_wait3A_54] : memref<10240x128xf32, #tpu.memory_space<vmem_shared>> -> memref<80x128xf32, #tpu.memory_space<vmem_shared>>
      tpu.wait_dma2 semaphore(%run_scoped3A : memref<!tpu.dma_semaphore, #tpu.memory_space<semaphore_mem>>) src(%dma_wait3A_55 : memref<80x128xf32, #tpu.memory_space<vmem_shared>>) dst(%dma_wait3A_53 : memref<80x128xf32, #tpu.memory_space<hbm>>)
      tpu.yield
    }) : () -> ()
    %add3A_42 = arith.constant 400 : i32
    %add3A_43 = arith.addi %mul3A_7, %add3A_42 : i32
    "tpu.region"() ({
      %run_scoped3A = tpu.sem_alloc : memref<!tpu.dma_semaphore, #tpu.memory_space<semaphore_mem>>
      %dma_start3A = arith.constant 0 : i32
      %dma_start3A_48 = tpu.memref_slice %arg6[%arg0, %add3A_43, %dma_start3A] : memref<2x10240x128xf32, #tpu.memory_space<hbm>> -> memref<1x80x128xf32, #tpu.memory_space<hbm>>
      %dma_start3A_49 = tpu.memref_squeeze %dma_start3A_48 : memref<1x80x128xf32, #tpu.memory_space<hbm>> -> memref<80x128xf32, #tpu.memory_space<hbm>>
      %dma_start3A_50 = arith.constant 0 : i32
      %dma_start3A_51 = tpu.memref_slice %arg7[%add3A_43, %dma_start3A_50] : memref<10240x128xf32, #tpu.memory_space<vmem_shared>> -> memref<80x128xf32, #tpu.memory_space<vmem_shared>>
      tpu.enqueue_dma source(%dma_start3A_51 : memref<80x128xf32, #tpu.memory_space<vmem_shared>>) target(%dma_start3A_49 : memref<80x128xf32, #tpu.memory_space<hbm>>) target_semaphore(%run_scoped3A : memref<!tpu.dma_semaphore, #tpu.memory_space<semaphore_mem>>)
      %dma_wait3A = arith.constant 0 : i32
      %dma_wait3A_52 = tpu.memref_slice %arg6[%arg0, %add3A_43, %dma_wait3A] : memref<2x10240x128xf32, #tpu.memory_space<hbm>> -> memref<1x80x128xf32, #tpu.memory_space<hbm>>
      %dma_wait3A_53 = tpu.memref_squeeze %dma_wait3A_52 : memref<1x80x128xf32, #tpu.memory_space<hbm>> -> memref<80x128xf32, #tpu.memory_space<hbm>>
      %dma_wait3A_54 = arith.constant 0 : i32
      %dma_wait3A_55 = tpu.memref_slice %arg7[%add3A_43, %dma_wait3A_54] : memref<10240x128xf32, #tpu.memory_space<vmem_shared>> -> memref<80x128xf32, #tpu.memory_space<vmem_shared>>
      tpu.wait_dma2 semaphore(%run_scoped3A : memref<!tpu.dma_semaphore, #tpu.memory_space<semaphore_mem>>) src(%dma_wait3A_55 : memref<80x128xf32, #tpu.memory_space<vmem_shared>>) dst(%dma_wait3A_53 : memref<80x128xf32, #tpu.memory_space<hbm>>)
      tpu.yield
    }) : () -> ()
    %add3A_44 = arith.constant 480 : i32
    %add3A_45 = arith.addi %mul3A_7, %add3A_44 : i32
    "tpu.region"() ({
      %run_scoped3A = tpu.sem_alloc : memref<!tpu.dma_semaphore, #tpu.memory_space<semaphore_mem>>
      %dma_start3A = arith.constant 0 : i32
      %dma_start3A_48 = tpu.memref_slice %arg6[%arg0, %add3A_45, %dma_start3A] : memref<2x10240x128xf32, #tpu.memory_space<hbm>> -> memref<1x80x128xf32, #tpu.memory_space<hbm>>
      %dma_start3A_49 = tpu.memref_squeeze %dma_start3A_48 : memref<1x80x128xf32, #tpu.memory_space<hbm>> -> memref<80x128xf32, #tpu.memory_space<hbm>>
      %dma_start3A_50 = arith.constant 0 : i32
      %dma_start3A_51 = tpu.memref_slice %arg7[%add3A_45, %dma_start3A_50] : memref<10240x128xf32, #tpu.memory_space<vmem_shared>> -> memref<80x128xf32, #tpu.memory_space<vmem_shared>>
      tpu.enqueue_dma source(%dma_start3A_51 : memref<80x128xf32, #tpu.memory_space<vmem_shared>>) target(%dma_start3A_49 : memref<80x128xf32, #tpu.memory_space<hbm>>) target_semaphore(%run_scoped3A : memref<!tpu.dma_semaphore, #tpu.memory_space<semaphore_mem>>)
      %dma_wait3A = arith.constant 0 : i32
      %dma_wait3A_52 = tpu.memref_slice %arg6[%arg0, %add3A_45, %dma_wait3A] : memref<2x10240x128xf32, #tpu.memory_space<hbm>> -> memref<1x80x128xf32, #tpu.memory_space<hbm>>
      %dma_wait3A_53 = tpu.memref_squeeze %dma_wait3A_52 : memref<1x80x128xf32, #tpu.memory_space<hbm>> -> memref<80x128xf32, #tpu.memory_space<hbm>>
      %dma_wait3A_54 = arith.constant 0 : i32
      %dma_wait3A_55 = tpu.memref_slice %arg7[%add3A_45, %dma_wait3A_54] : memref<10240x128xf32, #tpu.memory_space<vmem_shared>> -> memref<80x128xf32, #tpu.memory_space<vmem_shared>>
      tpu.wait_dma2 semaphore(%run_scoped3A : memref<!tpu.dma_semaphore, #tpu.memory_space<semaphore_mem>>) src(%dma_wait3A_55 : memref<80x128xf32, #tpu.memory_space<vmem_shared>>) dst(%dma_wait3A_53 : memref<80x128xf32, #tpu.memory_space<hbm>>)
      tpu.yield
    }) : () -> ()
    %add3A_46 = arith.constant 560 : i32
    %add3A_47 = arith.addi %mul3A_7, %add3A_46 : i32
    "tpu.region"() ({
      %run_scoped3A = tpu.sem_alloc : memref<!tpu.dma_semaphore, #tpu.memory_space<semaphore_mem>>
      %dma_start3A = arith.constant 0 : i32
      %dma_start3A_48 = tpu.memref_slice %arg6[%arg0, %add3A_47, %dma_start3A] : memref<2x10240x128xf32, #tpu.memory_space<hbm>> -> memref<1x80x128xf32, #tpu.memory_space<hbm>>
      %dma_start3A_49 = tpu.memref_squeeze %dma_start3A_48 : memref<1x80x128xf32, #tpu.memory_space<hbm>> -> memref<80x128xf32, #tpu.memory_space<hbm>>
      %dma_start3A_50 = arith.constant 0 : i32
      %dma_start3A_51 = tpu.memref_slice %arg7[%add3A_47, %dma_start3A_50] : memref<10240x128xf32, #tpu.memory_space<vmem_shared>> -> memref<80x128xf32, #tpu.memory_space<vmem_shared>>
      tpu.enqueue_dma source(%dma_start3A_51 : memref<80x128xf32, #tpu.memory_space<vmem_shared>>) target(%dma_start3A_49 : memref<80x128xf32, #tpu.memory_space<hbm>>) target_semaphore(%run_scoped3A : memref<!tpu.dma_semaphore, #tpu.memory_space<semaphore_mem>>)
      %dma_wait3A = arith.constant 0 : i32
      %dma_wait3A_52 = tpu.memref_slice %arg6[%arg0, %add3A_47, %dma_wait3A] : memref<2x10240x128xf32, #tpu.memory_space<hbm>> -> memref<1x80x128xf32, #tpu.memory_space<hbm>>
      %dma_wait3A_53 = tpu.memref_squeeze %dma_wait3A_52 : memref<1x80x128xf32, #tpu.memory_space<hbm>> -> memref<80x128xf32, #tpu.memory_space<hbm>>
      %dma_wait3A_54 = arith.constant 0 : i32
      %dma_wait3A_55 = tpu.memref_slice %arg7[%add3A_47, %dma_wait3A_54] : memref<10240x128xf32, #tpu.memory_space<vmem_shared>> -> memref<80x128xf32, #tpu.memory_space<vmem_shared>>
      tpu.wait_dma2 semaphore(%run_scoped3A : memref<!tpu.dma_semaphore, #tpu.memory_space<semaphore_mem>>) src(%dma_wait3A_55 : memref<80x128xf32, #tpu.memory_space<vmem_shared>>) dst(%dma_wait3A_53 : memref<80x128xf32, #tpu.memory_space<hbm>>)
      tpu.yield
    }) : () -> ()
    return
  }
}

module attributes {stable_mosaic.version = 14 : i64} {
  func.func @body(%arg0: i32, %arg1: memref<2x400x128xf32, #tpu.memory_space<vmem>>, %arg2: memref<128x128xf32, #tpu.memory_space<vmem>>, %arg3: memref<1x128xf32, #tpu.memory_space<vmem>>, %arg4: memref<400x128xf32, #tpu.memory_space<vmem>>) attributes {dimension_semantics = [#tpu.dimension_semantics<arbitrary>], iteration_bounds = array<i64: 25>, scalar_prefetch = 0 : i64, scratch_operands = 0 : i64, tpu.core_type = #tpu.core_type<tc>, window_params = [{transform_indices = @transform_0, window_bounds = array<i64: 2, 400, 128>}, {pipeline_mode = #tpu.pipeline_mode<synchronous>, transform_indices = @transform_1, window_bounds = array<i64: 128, 128>}, {pipeline_mode = #tpu.pipeline_mode<synchronous>, transform_indices = @transform_2, window_bounds = array<i64: 1, 128>}, {transform_indices = @transform_3, window_bounds = array<i64: 400, 128>}]} {
    %get3A = arith.constant 0 : index
    %get3A_0 = arith.constant 0 : index
    %get3A_1 = arith.constant 0 : index
    %get3A_2 = vector.load %arg1[%get3A, %get3A_0, %get3A_1] : memref<2x400x128xf32, #tpu.memory_space<vmem>>, vector<1x400x128xf32>
    %get3A_3 = vector.shape_cast %get3A_2 : vector<1x400x128xf32> to vector<400x128xf32>
    %get3A_4 = arith.constant 1 : index
    %get3A_5 = arith.constant 0 : index
    %get3A_6 = arith.constant 0 : index
    %get3A_7 = vector.load %arg1[%get3A_4, %get3A_5, %get3A_6] : memref<2x400x128xf32, #tpu.memory_space<vmem>>, vector<1x400x128xf32>
    %get3A_8 = vector.shape_cast %get3A_7 : vector<1x400x128xf32> to vector<400x128xf32>
    %add3A = arith.addf %get3A_3, %get3A_8 : vector<400x128xf32>
    %get3A_9 = arith.constant 0 : index
    %get3A_10 = arith.constant 0 : index
    %get3A_11 = vector.load %arg2[%get3A_9, %get3A_10] : memref<128x128xf32, #tpu.memory_space<vmem>>, vector<128x128xf32>
    %dot_general3A = arith.constant dense<0.000000e+00> : vector<400x128xf32>
    %dot_general3A_12 = tpu.matmul %add3A, %get3A_11, %dot_general3A {dimension_numbers = #tpu.dot_dimension_numbers<[1], [0], [0], [1], [0, 0, 1, 1], [], []>, transpose_lhs_hint = false} : vector<400x128xf32>, vector<128x128xf32>, vector<400x128xf32> -> vector<400x128xf32>
    %get3A_13 = arith.constant 0 : index
    %get3A_14 = arith.constant 0 : index
    %get3A_15 = vector.load %arg3[%get3A_13, %get3A_14] : memref<1x128xf32, #tpu.memory_space<vmem>>, vector<1x128xf32>
    %add3A_16 = vector.broadcast %get3A_15 : vector<1x128xf32> to vector<400x128xf32>
    %add3A_17 = arith.addf %dot_general3A_12, %add3A_16 : vector<400x128xf32>
    %ge3A = arith.constant 0.000000e+00 : f32
    %ge3A_18 = vector.broadcast %ge3A : f32 to vector<400x128xf32>
    %ge3A_19 = arith.cmpf oge, %add3A_17, %ge3A_18 : vector<400x128xf32>
    %mul3A = arith.constant 0.00999999977 : f32
    %mul3A_20 = vector.broadcast %mul3A : f32 to vector<400x128xf32>
    %mul3A_21 = arith.mulf %mul3A_20, %add3A_17 : vector<400x128xf32>
    %select_n3A = arith.select %ge3A_19, %add3A_17, %mul3A_21 : vector<400x128xi1>, vector<400x128xf32>
    %swap3A = arith.constant 0 : index
    %swap3A_22 = arith.constant 0 : index
    %swap3A_23 = vector.load %arg4[%swap3A, %swap3A_22] : memref<400x128xf32, #tpu.memory_space<vmem>>, vector<400x128xf32>
    tpu.vector_store %arg4[%swap3A, %swap3A_22], %select_n3A {strides = array<i32>} : memref<400x128xf32, #tpu.memory_space<vmem>>, vector<400x128xf32>,
    return
  }
  func.func @transform_0(%arg0: i32) -> (i32, i32, i32) {
    %c0_i32 = arith.constant 0 : i32
    %c0_i32_0 = arith.constant 0 : i32
    %c0_i32_1 = arith.constant 0 : i32
    return %c0_i32, %arg0, %c0_i32_0 : i32, i32, i32
  }
  func.func @transform_1(%arg0: i32) -> (i32, i32) {
    %c0_i32 = arith.constant 0 : i32
    %c0_i32_0 = arith.constant 0 : i32
    %c0_i32_1 = arith.constant 0 : i32
    return %c0_i32, %c0_i32_0 : i32, i32
  }
  func.func @transform_2(%arg0: i32) -> (i32, i32) {
    %c0_i32 = arith.constant 0 : i32
    %c0_i32_0 = arith.constant 0 : i32
    %c0_i32_1 = arith.constant 0 : i32
    return %c0_i32, %c0_i32_0 : i32, i32
  }
  func.func @transform_3(%arg0: i32) -> (i32, i32) {
    %c0_i32 = arith.constant 0 : i32
    %c0_i32_0 = arith.constant 0 : i32
    return %arg0, %c0_i32 : i32, i32
  }
}

</mosaic_0001>

<sc_bundles>
// kernel: kernel.4.cloned.1.call-start
scs
__scs_entry_jumppad:
0x0: {  	(pc) =	sbr.rel $0x88, $3  }
0x1: {  	(tag) =	ssettag $0x0;
	lr =	simm.s32 $0x1  }
0x2: {  	[smem:$0x3F9C] =	sst lr;
	_ =	strace $0xD0000000  }
0x3: {  	_ = 	snop  }
0x4: {  	_ = 	snop  }
0x5: {  	_ = 	snop  }
0x6: {  	_ = 	snop  }
0x7: {  	_ = 	snop  }
__scs_overlays_trampoline_lowered:
0x8: {  	[smem:$0x3FAB] =	sst s0  }
0x9: {  	[smem:$0x3FAC] =	sst s1  }
0xa: {  	[smem:$0x3FAD] =	sst s2  }
0xb: {  	[smem:$0x3FAE] =	sst s3  }
0xc: {  	[smem:$0x3FAF] =	sst s4  }
0xd: {  	[smem:$0x3FB0] =	sst s5  }
0xe: {  	[smem:$0x3FB1] =	sst s6  }
0xf: {  	[smem:$0x3FB2] =	sst s7  }
0x10: {  	[smem:$0x3FB3] =	sst s8  }
0x11: {  	[smem:$0x3FB4] =	sst s9;
	s0 =	simm.s32 @!p0 $0x0  }
0x12: {  	s1 =	sld [smem:$0x3F9A];
	s0 =	simm.s32 @p0 $0x1  }
0x13: {  	[smem:$0x3FB5] =	sst s0;
	s0 =	simm.s32 @!p1 $0x0  }
0x14: {  	s2 =	sld [smem:$0x3F99];
	s0 =	simm.s32 @p1 $0x1  }
0x15: {  	[smem:$0x3FB6] =	sst s0;
	s0 =	simm.s32 @!p2 $0x0  }
0x16: {  	s3 =	sld [smem:$0x3FDB];
	s0 =	simm.s32 @p2 $0x1  }
0x17: {  	s4 =	simm.s32 $0x1BF5;
	[smem:$0x3FB8] =	sst s0  }
0x18: {  	s0 =	sld [smem:$0x3F9B];
	_ =	swait.ge [sflag:s4], $0x0  }
0x19: {  	s7 =	sld [smem:$0x3F9C]  }
0x1a: {  	s8 =	sadd.s32 $0xFFFFE003, lr  }
0x1b: {  	s9 =	sadd.s32 $0xFFFFFEF7, lr;
	s5 =	simm.s32 $0xFFFFFFFF;
	p2 =	slt.u32 s8, $0xFFFFF086  }
0x1c: {  	p1 =	slt.u32 s9, $0xF7A;
	s5 =	simm.s32 @!p2 $0x0  }
0x1d: {  	s5 =	simm.s32 @p1 $0x1;
	p0 =	seq.s32 s7, s2  }
0x1e: {  	s7 =	smul.u32 @!p0 $0xF7A, s2;
	p2 =	seq.s32 @!p0 s5, $0x0  }
0x1f: {  	s9 =	smul.u32 $0xF7A, s1;
	s8 =	simm.s32 @!p0 $0x1BF5;
	p2 =	por !p2, p0  }
0x20: {  	[sflag:s8] =	ssyncset.s32 @!p0 $0xFFFFF086;
	s6 =	sadd.s32 @!p0 s3, s7;
	s7 =	simm.s32 @!p0 $0x108  }
0x21: {  	s3 =	sadd.s32 s3, s9;
	s6 =	sadd.s32 @!p0 $0x88, s6;
	s7 =	simm.s32 @p2 $0x1082  }
0x22: {  	[simem:s7], [sflag:s8] =	dma.local @!p0 [hbm:s6], $0xF7A  }
0x23: {  	s9 =	sor.u32 $0xD0000000, s2;
	s6 =	simm.s32 $0x108;
	_ =	swait.ge @!p0 [sflag:s8], $0x0  }
0x24: {  	s3 =	sadd.s32 $0x88, s3;
	s6 =	simm.s32 @!p1 $0x1082;
	[sflag:s4] =	ssyncset.s32 $0xFFFFF086  }
0x25: {  	[simem:s6], [sflag:s4] =	dma.local [hbm:s3], $0xF7A  }
0x26: {  	[smem:$0x3F9C] =	sst s1;
	(tag) =	ssettag s2;
	_ =	strace s9  }
0x27: {  	s1 =	sld [smem:$0x3FAC]  }
0x28: {  	s2 =	sld [smem:$0x3FAD]  }
0x29: {  	s4 =	sld [smem:$0x3FAF]  }
0x2a: {  	p0 =	seq.s32 s5, $0x0;
	s5 =	sld [smem:$0x3FB0]  }
0x2b: {  	s6 =	sld [smem:$0x3FB1]  }
0x2c: {  	s7 =	sld [smem:$0x3FB2]  }
0x2d: {  	s3 =	simm.s32 $0x108;
	s8 =	sld [smem:$0x3FB3]  }
0x2e: {  	s3 =	simm.s32 @!p0 $0x1082;
	s9 =	sld [smem:$0x3FB4]  }
0x2f: {  	lr =	sadd.s32 s0, s3;
	s0 =	sld [smem:$0x3FAB]  }
0x30: {  	s3 =	sld [smem:$0x3FAE]  }
0x31: {  	[smem:$0x3FB7] =	sst s10  }
0x32: {  	s10 =	sld [smem:$0x3FB5];
	_ =	sdelay $0x3  }
0x33: {  	p0 =	seq.s32 s10, $0x1;
	s10 =	sld [smem:$0x3FB7];
	_ =	sdelay $0x3  }
0x34: {  	[smem:$0x3FB7] =	sst s10  }
0x35: {  	s10 =	sld [smem:$0x3FB6];
	_ =	sdelay $0x3  }
0x36: {  	p1 =	seq.s32 s10, $0x1;
	s10 =	sld [smem:$0x3FB7];
	_ =	sdelay $0x3  }
0x37: {  	[smem:$0x3FB7] =	sst s10  }
0x38: {  	s10 =	sld [smem:$0x3FB8]  }
0x39: {  	_ = 	snop;
	(pc) =	sbr.ind lr, $3  }
0x3a: {  	_ = 	snop  }
0x3b: {  	_ = 	snop  }
0x3c: {  	p2 =	seq.s32 s10, $0x1;
	s10 =	sld [smem:$0x3FB7]  }
0x3d: {  	_ =	shalt  }
0x3e: {  	_ =	shalt  }
0x3f: {  	_ =	shalt  }
0x40: {  	_ =	shalt  }
0x41: {  	_ =	shalt  }
0x42: {  	_ =	shalt  }
0x43: {  	_ =	shalt  }
0x44: {  	_ =	shalt  }
0x45: {  	_ =	shalt  }
0x46: {  	_ =	shalt  }
0x47: {  	_ =	shalt  }
0x48: {  	_ =	shalt  }
0x49: {  	_ =	shalt  }
0x4a: {  	_ =	shalt  }
0x4b: {  	_ =	shalt  }
0x4c: {  	_ =	shalt  }
0x4d: {  	_ =	shalt  }
0x4e: {  	_ =	shalt  }
0x4f: {  	_ =	shalt  }
0x50: {  	_ =	shalt  }
0x51: {  	_ =	shalt  }
0x52: {  	_ =	shalt  }
0x53: {  	_ =	shalt  }
0x54: {  	_ =	shalt  }
0x55: {  	_ =	shalt  }
0x56: {  	_ =	shalt  }
0x57: {  	_ =	shalt  }
0x58: {  	_ =	shalt  }
0x59: {  	_ =	shalt  }
0x5a: {  	_ =	shalt  }
0x5b: {  	_ =	shalt  }
0x5c: {  	_ =	shalt  }
0x5d: {  	_ =	shalt  }
0x5e: {  	_ =	shalt  }
0x5f: {  	_ =	shalt  }
0x60: {  	_ =	shalt  }
0x61: {  	_ =	shalt  }
0x62: {  	_ =	shalt  }
0x63: {  	_ =	shalt  }
0x64: {  	_ =	shalt  }
0x65: {  	_ =	shalt  }
0x66: {  	_ =	shalt  }
0x67: {  	_ =	shalt  }
0x68: {  	_ =	shalt  }
0x69: {  	_ =	shalt  }
0x6a: {  	_ =	shalt  }
0x6b: {  	_ =	shalt  }
0x6c: {  	_ =	shalt  }
0x6d: {  	_ =	shalt  }
0x6e: {  	_ =	shalt  }
0x6f: {  	_ =	shalt  }
0x70: {  	_ =	shalt  }
0x71: {  	_ =	shalt  }
0x72: {  	_ =	shalt  }
0x73: {  	_ =	shalt  }
0x74: {  	_ =	shalt  }
0x75: {  	_ =	shalt  }
0x76: {  	_ =	shalt  }
0x77: {  	_ =	shalt  }
0x78: {  	_ =	shalt  }
0x79: {  	_ =	shalt  }
0x7a: {  	_ =	shalt  }
0x7b: {  	_ =	shalt  }
0x7c: {  	_ =	shalt  }
0x7d: {  	_ =	shalt  }
0x7e: {  	_ =	shalt  }
0x7f: {  	_ =	shalt  }
0x80: {  	_ =	shalt  }
0x81: {  	_ =	shalt  }
0x82: {  	_ =	shalt  }
0x83: {  	_ =	shalt  }
0x84: {  	_ =	shalt  }
0x85: {  	_ =	shalt  }
0x86: {  	_ =	shalt  }
0x87: {  	_ =	shalt  }
.Lfunc_end0:
.L_simem_size_0:
called_computation_lowered:
.L_overlay_start_0:
0x88: {  	s2 =	sld [smem:$0x3FD9]  }
0x89: {  	s3 =	sld [smem:$0x3FFE];
	_ =	sdelay $0x1  }
0x8a: {  	s1 =	srdreg.scid  }
0x8b: {  	s0 =	sand.u32 $0x1, s1  }
0x8c: {  	s17 =	sshll.u32 s0, $0xA;
	s2 =	sadd.s32 s3, s2  }
0x8d: {  	s2 =	sadd.s32 s2, s17  }
0x8e: {  	[smem:$0x3FC3] =	sst s2  }
0x8f: {  	_ = 	snop  }
0x90: {  	s2 =	sld [smem:$0x3FC9]  }
0x91: {  	s18 =	sld [smem:$0x3FC7]  }
0x92: {  	s4 =	sld [smem:$0x3FD0];
	(tm) =	ssettm $0x1  }
0x93: {  	s5 =	sld [smem:$0x3FFB];
	_ =	sdelay $0x3  }
0x94: {  	_ =	strace s5  }
0x95: {  	s5 =	sld [smem:$0x3FFC];
	_ =	sdelay $0x3  }
0x96: {  	_ =	strace s5  }
0x97: {  	s5 =	sld [smem:$0x3FFD];
	_ =	sdelay $0x3  }
0x98: {  	_ =	strace s5  }
0x99: {  	_ =	strace $0x8FFFFFFF  }
0x9a: {  	s19 =	sld [smem:$0x3FDB];
	_ =	sdelay $0x1  }
0x9b: {  	s6 =	simm.s32 $_scs_section_size  }
0x9c: {  	s7 =	simm.s32 $_size__tile_overlayer_lowered;
	s8 =	simm.s32 $_tile_overlayer_lowered  }
0x9d: {  	s22 =	simm.s32 $0x1BFF;
	s21 =	sshll.u32 s8, $0x1;
	s5 =	sadd.s32 s6, s19  }
0x9e: {  	s9 =	simm.s32 $0x0;
	s20 =	sshll.u32 s7, $0x1;
	s7 =	sadd.s32 s21, s5  }
0x9f: {  	[timem:s9], [sflag:s22] =	dma.local [hbm:s7], s20  }
0xa0: {  	_ =	swait.ge [sflag:s22], s20  }
0xa1: {  	s6 =	ssub.s32 $0x0, s20;
	[sflag:s22] =	ssyncset.done $0x0  }
0xa2: {  	[sflag:s22] =	ssyncadd.s32 s6;
	_ =	sdelay $0x1  }
0xa3: {  	s23 =	simm.s32 $0x1B8B  }
0xa4: {  	_ =	swait.ge [sflag:s23], $0x1  }
0xa5: {  	[sflag:s23] =	ssyncset.done $0x0  }
0xa6: {  	s25 =	simm.s32 $0x1B8E;
	s24 =	sld [smem:$0x3FFE];
	[sflag:s23] =	ssyncadd.s32 $0xFFFFFFFF  }
0xa7: {  	s26 =	simm.s32 $execute0_lowered;
	[smem:$0x3FD2] =	sst s25  }
0xa8: {  	s7 =	sshll.u32 s26, $0x1;
	_ =	strace $0x80000046;
	[dreg:$0x1] =	wrdreg $0xFFFFFFFF  }
0xa9: {  	s28 =	simm.s32 $_size_execute0_lowered;
	s5 =	sadd.s32 s5, s7;
	[dreg:$0x0] =	wrdreg $0x0  }
0xaa: {  	s7 =	sshll.u32 s28, $0x1;
	[dreg:$0x2] =	wrdreg s5  }
0xab: {  	[dreg:$0x3] =	wrdreg s7  }
0xac: {  	[dreg:$0x4] =	wrdreg $0xC0  }
0xad: {  	_ =	task [dreg:s9], $0x5FFFF  }
0xae: {  	[dreg:$0x1] =	wrdreg $0xFFFFFFFF  }
0xaf: {  	[dreg:$0x0] =	wrdreg $0x60  }
0xb0: {  	[dreg:$0x2] =	wrdreg s24  }
0xb1: {  	[dreg:$0x3] =	wrdreg s4  }
0xb2: {  	[dreg:$0x4] =	wrdreg s18  }
0xb3: {  	[dreg:$0x5] =	wrdreg s2  }
0xb4: {  	[dreg:$0x6] =	wrdreg $0x0  }
0xb5: {  	[dreg:$0x7] =	wrdreg $0x9  }
0xb6: {  	_ =	task.clear_ibuf [dreg:s9], $0x8FFFF;
	_ =	strace $0x90000046  }
0xb7: {  	s29 =	simm.s32 $0x9;
	_ =	strace $0x80000048  }
0xb8: {  	_ =	swait.ge [sflag:s29], $0x1  }
0xb9: {  	[sflag:s29] =	ssyncadd.s32 $0xFFFFFFFF  }
0xba: {  	_ =	strace $0x90000048  }
0xbb: {  	_ =	sfence  }
0xbc: {  	s30 =	sld [smem:$0x0];
	_ =	sdelay $0x2  }
0xbd: {  	s31 =	sshll.u32 s1, $0xD;
	s1 =	sshrl.u32 s1, $0x2  }
0xbe: {  	s3 =	sand.u32 $0x4000, s31;
	s1 =	sadd.s32 s1, s30  }
0xbf: {  	s0 =	sor.u32 s3, s0;
	s1 =	sshll.u32 s1, $0x11  }
0xc0: {  	s0 =	sor.u32 s1, s0  }
0xc1: {  	s0 =	sadd.s32 $0x8F2B, s0  }
0xc2: {  	[sflag:s0] =	ssyncadd.remote.s32 $0x1  }
0xc3: {  	_ =	sfence.sel $0xFFFF  }
0xc4: {  	[dreg:$0x0] =	wrdreg $0xFFFFFFFF;
	(pc) =	sbr.abs _section_cstart, $3  }
0xc5: {  	[dreg:$0x1] =	wrdreg $0xFFFFFFFF  }
0xc6: {  	_ =	task.clear_ibuf [dreg:s9], $0x2FFFF;
	_ =	strace $0x9FFFFFFF  }
0xc7: {  	(tm) =	ssettm $0x7FFFFFFF  }
tec
execute0_lowered:
.L_overlay_start_1:
0x0: {  	(tag) =	ssettag $0x1  }
0x1: {  	s3 =	rddreg [dreg:$0x0]  }
0x2: {  	s0 =	rddreg [dreg:$0x1]  }
0x3: {  	s1 =	rddreg [dreg:$0x2]  }
0x4: {  	s2 =	rddreg [dreg:$0x3]  }
0x5: {  	s6 =	srdreg.scid;
	s4 =	rddreg [dreg:$0x4]  }
0x6: {  	s5 =	simm.s32 $0x0;
	s11 =	stileid.u32;
	s28 =	simm.s32 $0x3  }
0x7: {  	s29 =	simm.s32 $0x14000;
	s30 =	simm.s32 $0x14800;
	s31 =	simm.s32 $0x15000  }
0x8: {  	s6 =	sand.u32 $0x1, s6;
	[smem:$0x7FF] =	sst s5;
	s10 =	smul.u32 $0x14000, s11  }
0x9: {  	s8 =	sadd.s32 $0xA000, s3;
	s20 =	sshll.u32 s11, $0x1;
	s7 =	ssub.s32 $0x2, s6  }
0xa: {  	s11 =	smul.u32 $0x50000, s11;
	s9 =	sshrl.u32 s7, $0x1;
	s12 =	sor.u32 $0x2800, s10  }
0xb: {  	s7 =	ssub.s32 s7, s9;
	s9 =	sor.u32 s6, s20;
	s6 =	smul.u32 $0x140000, s6  }
0xc: {  	s13 =	sadd.s32 $0x5000, s10;
	s14 =	sadd.s32 $0x7800, s10;
	s16 =	sadd.s32 $0xA000, s10  }
0xd: {  	s17 =	sadd.s32 $0xC800, s10;
	s18 =	sadd.s32 $0xF000, s10;
	s15 =	sadd.s32 s10, s6  }
0xe: {  	s10 =	sadd.s32 $0x11800, s10;
	s19 =	sadd.s32 s6, s12;
	s22 =	sadd.s32 s6, s13  }
0xf: {  	s24 =	sadd.s32 s6, s14;
	s26 =	sadd.s32 s6, s16;
	s13 =	sadd.s32 s13, s4  }
0x10: {  	s14 =	sadd.s32 s14, s4;
	s16 =	sadd.s32 s16, s4;
	s15 =	sshrl.u32 s15, $0x3  }
0x11: {  	s21 =	sshrl.u32 s19, $0x3;
	s23 =	sshrl.u32 s22, $0x3;
	s25 =	sshrl.u32 s24, $0x3  }
0x12: {  	s20 =	sshrl.u32 s26, $0x3;
	s26 =	smax.u32 s7, $0x1;
	s15 =	sadd.s32 s8, s15  }
0x13: {  	[dreg:$0x6] =	wrdreg s15;
	s15 =	sadd.s32 s8, s21;
	s21 =	sadd.s32 s6, s17  }
0x14: {  	[dreg:$0x7] =	wrdreg s15;
	s15 =	sadd.s32 s8, s23;
	s23 =	sadd.s32 s6, s18  }
0x15: {  	s6 =	sadd.s32 s6, s10;
	[dreg:$0x8] =	wrdreg s15;
	s15 =	sadd.s32 s8, s25  }
0x16: {  	s6 =	sshrl.u32 s6, $0x3;
	[dreg:$0x9] =	wrdreg s15;
	s15 =	sadd.s32 s8, s20  }
0x17: {  	s22 =	sshrl.u32 s21, $0x3;
	s6 =	sadd.s32 s8, s6;
	[dreg:$0xa] =	wrdreg s15  }
0x18: {  	s24 =	sshrl.u32 s23, $0x3;
	s15 =	sadd.s32 s8, s22;
	[dreg:$0xd] =	wrdreg s6  }
0x19: {  	s7 =	simm.s32 $0x15800;
	[dreg:$0xb] =	wrdreg s15;
	s15 =	sadd.s32 s8, s24  }
0x1a: {  	s17 =	sadd.s32 s17, s4;
	s18 =	sadd.s32 s18, s4;
	[dreg:$0xc] =	wrdreg s15  }
0x1b: {  	s25 =	sshrl.u32 s11, $0x2;
	_ =	strace $0x80000047;
	[dreg:$0x13] =	wrdreg s26  }
0x1c: {  	s11 =	simm.s32 $0x50;
	s19 =	sadd.s32 s25, s4;
	[dreg:$0xe] =	wrdreg s14  }
0x1d: {  	s20 =	sadd.s32 s12, s4;
	s25 =	sadd.s32 s10, s4;
	[dreg:$0xf] =	wrdreg s16  }
0x1e: {  	s6 =	simm.s32 $0x1;
	s24 =	smul.u32 $0x2710, s9;
	[dreg:$0x10] =	wrdreg s17  }
0x1f: {  	s8 =	simm.s32 $0x2;
	s15 =	sadd.s32 $0x200, s3;
	[dreg:$0x11] =	wrdreg s18  }
0x20: {  	v0 =	vimm.f32 $0.0e+00;
	s3 =	simm.s32 $0x18080;
	s26 =	simm.s32 $0x15880;
	[dreg:$0x12] =	wrdreg s25  }
.LBB2_1:
0x21: {  	s9 =	simm.s32 $0x0;
	s10 =	simm.s32 $0x200  }
.LBB2_2:
0x22: {  	p0 =	sne.s32 s10, $0x9E00;
	[tilespmem:s9+$0x158F0] =	vst v0  }
0x23: {  	[tilespmem:s9+$0x15880] =	vst v0  }
0x24: {  	[tilespmem:s9+$0x15890] =	vst v0  }
.Ltmp0:
0x25: {  	[tilespmem:s9+$0x158A0] =	vst v0;
	(pc) =	sbr.rel @p0 .LBB2_2-.Ltmp0, $4  }
0x26: {  	[tilespmem:s9+$0x158B0] =	vst v0  }
0x27: {  	[tilespmem:s9+$0x158C0] =	vst v0  }
0x28: {  	[tilespmem:s9+$0x158D0] =	vst v0  }
0x29: {  	[tilespmem:s9+$0x158E0] =	vst v0;
	s9 =	sshra.s32 s10, $0x2;
	s10 =	sadd.s32 $0x200, s10  }
0x2a: {  	[tilespmem:s9+$0x158F0] =	vst v0  }
0x2b: {  	[tilespmem:s9+$0x15880] =	vst v0  }
0x2c: {  	[tilespmem:s9+$0x15890] =	vst v0  }
0x2d: {  	[tilespmem:s9+$0x158A0] =	vst v0  }
0x2e: {  	[tilespmem:s9+$0x158B0] =	vst v0  }
0x2f: {  	[tilespmem:s9+$0x158C0] =	vst v0  }
0x30: {  	[tilespmem:s9+$0x158D0] =	vst v0  }
0x31: {  	[tilespmem:s9+$0x158E0] =	vst v0  }
0x32: {  	[spmem:s19] =	stream.linear.scatter [tilespmem:s26], [sflag:$0x3], $0x2800, $0x38;
	[tilespmem:$0x1A880] =	vst v63  }
0x33: {  	_ =	swait.ge [sflag:s28], $0x2800  }
0x34: {  	[sflag:s28] =	ssyncset.done $0x0  }
0x35: {  	[sflag:s28] =	ssyncadd.s32 $0xFFFFD800  }
0x36: {  	[spmem:s20] =	stream.linear.scatter [tilespmem:s26], [sflag:$0x3], $0x2800, $0x38;
	[tilespmem:$0x1A880] =	vst v63  }
0x37: {  	_ =	swait.ge [sflag:s28], $0x2800  }
0x38: {  	[sflag:s28] =	ssyncset.done $0x0  }
0x39: {  	[sflag:s28] =	ssyncadd.s32 $0xFFFFD800  }
0x3a: {  	[spmem:s13] =	stream.linear.scatter [tilespmem:s26], [sflag:$0x3], $0x2800, $0x38;
	[tilespmem:$0x1A880] =	vst v63  }
0x3b: {  	_ =	swait.ge [sflag:s28], $0x2800  }
0x3c: {  	[sflag:s28] =	ssyncset.done $0x0  }
0x3d: {  	[sflag:s28] =	ssyncadd.s32 $0xFFFFD800  }
0x3e: {  	[spmem:s14] =	stream.linear.scatter [tilespmem:s26], [sflag:$0x3], $0x2800, $0x38;
	[tilespmem:$0x1A880] =	vst v63  }
0x3f: {  	_ =	swait.ge [sflag:s28], $0x2800  }
0x40: {  	[sflag:s28] =	ssyncset.done $0x0  }
0x41: {  	[sflag:s28] =	ssyncadd.s32 $0xFFFFD800  }
0x42: {  	[spmem:s16] =	stream.linear.scatter [tilespmem:s26], [sflag:$0x3], $0x2800, $0x38;
	[tilespmem:$0x1A880] =	vst v63  }
0x43: {  	_ =	swait.ge [sflag:s28], $0x2800  }
0x44: {  	[sflag:s28] =	ssyncset.done $0x0  }
0x45: {  	[sflag:s28] =	ssyncadd.s32 $0xFFFFD800  }
0x46: {  	[spmem:s17] =	stream.linear.scatter [tilespmem:s26], [sflag:$0x3], $0x2800, $0x38;
	[tilespmem:$0x1A880] =	vst v63  }
0x47: {  	_ =	swait.ge [sflag:s28], $0x2800  }
0x48: {  	[sflag:s28] =	ssyncset.done $0x0  }
0x49: {  	[sflag:s28] =	ssyncadd.s32 $0xFFFFD800  }
0x4a: {  	[spmem:s18] =	stream.linear.scatter [tilespmem:s26], [sflag:$0x3], $0x2800, $0x38;
	[tilespmem:$0x1A880] =	vst v63  }
0x4b: {  	_ =	swait.ge [sflag:s28], $0x2800  }
0x4c: {  	[sflag:s28] =	ssyncset.done $0x0  }
0x4d: {  	[sflag:s28] =	ssyncadd.s32 $0xFFFFD800  }
0x4e: {  	[spmem:s25] =	stream.linear.scatter [tilespmem:s26], [sflag:$0x3], $0x2800, $0x38;
	[tilespmem:$0x1A880] =	vst v63  }
0x4f: {  	_ =	swait.ge [sflag:s28], $0x2800  }
0x50: {  	s21 =	smov.u32 s19;
	[sflag:s28] =	ssyncset.done $0x0  }
0x51: {  	s22 =	smov.u32 s20;
	s23 =	smov.u32 s13;
	[sflag:s28] =	ssyncadd.s32 $0xFFFFD800  }
0x52: {  	s9 =	simm.s32 $0x0;
	s10 =	simm.s32 $0x0;
	[bflag:$0x0] =	sbarrier.arrive $0xFFFF  }
.LBB2_4:
0x53: {  	s12 =	smul.u32 $0x7D0, s10;
	_ =	sdelay $0x1  }
0x54: {  	s12 =	sadd.s32 s24, s12  }
0x55: {  	s12 =	sshrl.u32 s12, $0x3  }
0x56: {  	s13 =	sadd.s32 s15, s12  }
0x57: {  	[tilespmem:s29], [sflag:$0x3] =	stream.linear.gather [hbm4b:s13+s9], $0x7D0, $0x38;
	[tilespmem:$0x1A880] =	vst v63  }
0x58: {  	_ =	swait.ge [sflag:s28], $0x7D0  }
0x59: {  	[sflag:s28] =	ssyncset.done $0x0  }
0x5a: {  	s25 =	sadd.s32 s0, s12;
	[sflag:s28] =	ssyncadd.s32 $0xFFFFF830  }
0x5b: {  	[tilespmem:s30], [sflag:$0x3] =	stream.linear.gather [hbm4b:s25+s9], $0x7D0, $0x38;
	[tilespmem:$0x1A880] =	vst v63  }
0x5c: {  	_ =	swait.ge [sflag:s28], $0x7D0  }
0x5d: {  	[sflag:s28] =	ssyncset.done $0x0  }
0x5e: {  	s12 =	sadd.s32 s1, s12;
	[sflag:s28] =	ssyncadd.s32 $0xFFFFF830  }
0x5f: {  	[tilespmem:s31], [sflag:$0x3] =	stream.linear.gather [hbm4b:s12+s9], $0x7D0, $0x38;
	[tilespmem:$0x1A880] =	vst v63  }
0x60: {  	_ =	swait.ge [sflag:s28], $0x7D0  }
0x61: {  	s14 =	simm.s32 $0x0;
	[sflag:s28] =	ssyncset.done $0x0  }
0x62: {  	s13 =	simm.s32 $0x0;
	s12 =	simm.s32 $0x50;
	[sflag:s28] =	ssyncadd.s32 $0xFFFFF830  }
0x63: {  	[tilespmem:s26], [sflag:$0x1] =	stream.indirect.gather [hbm4b:s2+s12], $0x80, s29, s12, $0xb8;
	[tilespmem:$0x1A880] =	vst v63  }
.LBB2_5:
0x64: {  	s25 =	smul.u32 $0xA0, s14;
	_ =	sdelay $0x1  }
0x65: {  	s16 =	sadd.s32 $0x14050, s25  }
0x66: {  	[tilespmem:s3], [sflag:$0x2] =	stream.indirect.gather [hbm4b:s2+s11], $0x80, s16, s11, $0xb8;
	[tilespmem:$0x1A880] =	vst v63  }
0x67: {  	_ =	swait.ge [sflag:s6], $0x2800  }
0x68: {  	[sflag:s6] =	ssyncset.done $0x0  }
0x69: {  	[sflag:s6] =	ssyncadd.s32 $0xFFFFD800  }
0x6a: {  	v1 =	vld [tilespmem:s25+$0x14800];
	_ =	sdelay $0x4  }
0x6b: {  	[tilespmem:$0x15800] =	vst v1  }
0x6c: {  	v1 =	vld [tilespmem:s25+$0x14810];
	_ =	sdelay $0x4  }
0x6d: {  	[tilespmem:$0x15810] =	vst v1  }
0x6e: {  	v1 =	vld [tilespmem:s25+$0x14820];
	_ =	sdelay $0x4  }
0x6f: {  	[tilespmem:$0x15820] =	vst v1  }
0x70: {  	v1 =	vld [tilespmem:s25+$0x14830];
	_ =	sdelay $0x4  }
0x71: {  	[tilespmem:$0x15830] =	vst v1  }
0x72: {  	v1 =	vld [tilespmem:s25+$0x14840];
	_ =	sdelay $0x2  }
0x73: {  	s20 =	sadd.s32 $0x0, s13  }
0x74: {  	v2 =	vmov s20  }
0x75: {  	s16 =	simm.s32 $0x158C0;
	[tilespmem:$0x15840] =	vst v1  }
0x76: {  	v5 =	vld [tilespmem:s16+$0x30]  }
0x77: {  	v8 =	vld [tilespmem:s16+$0x10]  }
0x78: {  	v6 =	vld [tilespmem:s16+$0xFFFFFFC0]  }
0x79: {  	v2 =	vld.idx.msk [tilespmem:v2+s31+$0x0], $0xffff  }
0x7a: {  	v10 =	vld [tilespmem:s16+$0xFFFFFFE0]  }
0x7b: {  	v1 =	vld [tilespmem:s16+$0xFFFFFFF0]  }
0x7c: {  	v3 =	vld [tilespmem:s16+$0x20]  }
0x7d: {  	v4 =	vld [tilespmem:s16+$0xFFFFFFD0]  }
0x7e: {  	v9 =	vmul.f32 v5, v2;
	v5 =	vld [tilespmem:s16+$0x0]  }
0x7f: {  	v7 =	vmul.f32 v6, v2  }
0x80: {  	s18 =	simm.s32 $0x1;
	s19 =	simm.s32 $0x158C0;
	s17 =	sadd.s32 $0x50, s25;
	v6 =	vmul.f32 v10, v2;
	v8 =	vmul.f32 v8, v2  }
.LBB2_6:
0x81: {  	p0 =	sne.s32 s18, $0x4F  }
0x82: {  	v4 =	vmul.f32 v4, v2;
	v3 =	vmul.f32 v3, v2;
	[tilespmem:s16+$0x30] =	vst v9;
	s19 =	sadd.s32 $0x80, s19;
	s20 =	smov.u32 s18;
	s18 =	sadd.s32 $0x1, s18  }
0x83: {  	[tilespmem:s16+$0xFFFFFFC0] =	vst v7;
	v7 =	vmul.f32 v1, v2;
	v2 =	vmul.f32 v5, v2  }
0x84: {  	s20 =	sadd.s32 s20, s13;
	[tilespmem:s16+$0x10] =	vst v8  }
0x85: {  	v5 =	vmov s20;
	[tilespmem:s16+$0xFFFFFFE0] =	vst v6  }
0x86: {  	v1 =	vld [tilespmem:s19+$0xFFFFFFF0];
	[tilespmem:s16+$0xFFFFFFF0] =	vst v7  }
0x87: {  	v6 =	vld [tilespmem:s19+$0x30];
	[tilespmem:s16+$0x0] =	vst v2  }
0x88: {  	v8 =	vld [tilespmem:s19+$0x10];
	[tilespmem:s16+$0x20] =	vst v3  }
0x89: {  	v7 =	vld [tilespmem:s19+$0xFFFFFFC0];
	[tilespmem:s16+$0xFFFFFFD0] =	vst v4;
	s16 =	smov.u32 s19  }
0x8a: {  	v2 =	vld.idx.msk [tilespmem:v5+s31+$0x0], $0xffff  }
0x8b: {  	v10 =	vld [tilespmem:s19+$0xFFFFFFE0]  }
0x8c: {  	v3 =	vld [tilespmem:s19+$0x20]  }
.Ltmp1:
0x8d: {  	v4 =	vld [tilespmem:s19+$0xFFFFFFD0];
	(pc) =	sbr.rel @p0 .LBB2_6-.Ltmp1, $3  }
0x8e: {  	v5 =	vld [tilespmem:s19+$0x0];
	_ =	sdelay $0x1  }
0x8f: {  	v7 =	vmul.f32 v7, v2;
	v9 =	vmul.f32 v6, v2  }
0x90: {  	v8 =	vmul.f32 v8, v2;
	v6 =	vmul.f32 v10, v2  }
0x91: {  	[tilespmem:s16+$0x30] =	vst v9  }
0x92: {  	[tilespmem:s16+$0xFFFFFFC0] =	vst v7  }
0x93: {  	v1 =	vmul.f32 v1, v2;
	[tilespmem:s16+$0x10] =	vst v8  }
0x94: {  	v3 =	vmul.f32 v3, v2;
	[tilespmem:s16+$0xFFFFFFE0] =	vst v6  }
0x95: {  	v5 =	vmul.f32 v5, v2;
	[tilespmem:s16+$0xFFFFFFF0] =	vst v1  }
0x96: {  	v1 =	vmul.f32 v4, v2;
	[tilespmem:s16+$0x20] =	vst v3  }
0x97: {  	[tilespmem:s16+$0x0] =	vst v5  }
0x98: {  	[tilespmem:s16+$0xFFFFFFD0] =	vst v1  }
0x99: {  	[spmem:s4] =	stream.indirect.scatter.add.f32 [tilespmem:s26], [sflag:$0x3], $0x80, s7, s11, $0xb8;
	[tilespmem:$0x1A880] =	vst v63  }
0x9a: {  	_ =	swait.ge [sflag:s28], $0x2800  }
0x9b: {  	[sflag:s28] =	ssyncset.done $0x0  }
0x9c: {  	s19 =	sadd.s32 $0x140A0, s25;
	[sflag:s28] =	ssyncadd.s32 $0xFFFFD800  }
0x9d: {  	[tilespmem:s26], [sflag:$0x1] =	stream.indirect.gather [hbm4b:s2+s11], $0x80, s19, s11, $0xb8;
	[tilespmem:$0x1A880] =	vst v63  }
0x9e: {  	_ =	swait.ge [sflag:s8], $0x2800  }
0x9f: {  	[sflag:s8] =	ssyncset.done $0x0  }
0xa0: {  	[sflag:s8] =	ssyncadd.s32 $0xFFFFD800  }
0xa1: {  	v1 =	vld [tilespmem:s17+$0x14800];
	_ =	sdelay $0x4  }
0xa2: {  	[tilespmem:$0x15800] =	vst v1  }
0xa3: {  	v1 =	vld [tilespmem:s25+$0x14860];
	_ =	sdelay $0x4  }
0xa4: {  	[tilespmem:$0x15810] =	vst v1  }
0xa5: {  	v1 =	vld [tilespmem:s25+$0x14870];
	_ =	sdelay $0x4  }
0xa6: {  	s20 =	sand.u32 $0xFE0, s25;
	[tilespmem:$0x15820] =	vst v1  }
0xa7: {  	v1 =	vld [tilespmem:s20+$0x14880];
	_ =	sdelay $0x4  }
0xa8: {  	[tilespmem:$0x15830] =	vst v1  }
0xa9: {  	v1 =	vld [tilespmem:s25+$0x14890];
	_ =	sdelay $0x2  }
0xaa: {  	s25 =	sadd.s32 $0x0, s12  }
0xab: {  	v2 =	vmov s25  }
0xac: {  	s16 =	simm.s32 $0x180C0;
	[tilespmem:$0x15840] =	vst v1  }
0xad: {  	v5 =	vld [tilespmem:s16+$0x30]  }
0xae: {  	v8 =	vld [tilespmem:s16+$0x10]  }
0xaf: {  	v6 =	vld [tilespmem:s16+$0xFFFFFFC0]  }
0xb0: {  	v2 =	vld.idx.msk [tilespmem:v2+s31+$0x0], $0xffff  }
0xb1: {  	v10 =	vld [tilespmem:s16+$0xFFFFFFE0]  }
0xb2: {  	v1 =	vld [tilespmem:s16+$0xFFFFFFF0]  }
0xb3: {  	v3 =	vld [tilespmem:s16+$0x20]  }
0xb4: {  	v4 =	vld [tilespmem:s16+$0xFFFFFFD0]  }
0xb5: {  	v9 =	vmul.f32 v5, v2;
	v5 =	vld [tilespmem:s16+$0x0]  }
0xb6: {  	v7 =	vmul.f32 v6, v2  }
0xb7: {  	s18 =	simm.s32 $0x180C0;
	s17 =	simm.s32 $0x1;
	v6 =	vmul.f32 v10, v2;
	v8 =	vmul.f32 v8, v2  }
.LBB2_8:
0xb8: {  	p0 =	sne.s32 s17, $0x4F  }
0xb9: {  	v4 =	vmul.f32 v4, v2;
	v3 =	vmul.f32 v3, v2;
	[tilespmem:s16+$0x30] =	vst v9;
	s18 =	sadd.s32 $0x80, s18;
	s19 =	smov.u32 s17;
	s17 =	sadd.s32 $0x1, s17  }
0xba: {  	[tilespmem:s16+$0xFFFFFFC0] =	vst v7;
	v7 =	vmul.f32 v1, v2;
	v2 =	vmul.f32 v5, v2  }
0xbb: {  	s19 =	sadd.s32 s19, s12;
	[tilespmem:s16+$0x10] =	vst v8  }
0xbc: {  	v5 =	vmov s19;
	[tilespmem:s16+$0xFFFFFFE0] =	vst v6  }
0xbd: {  	v1 =	vld [tilespmem:s18+$0xFFFFFFF0];
	[tilespmem:s16+$0xFFFFFFF0] =	vst v7  }
0xbe: {  	v6 =	vld [tilespmem:s18+$0x30];
	[tilespmem:s16+$0x0] =	vst v2  }
0xbf: {  	v8 =	vld [tilespmem:s18+$0x10];
	[tilespmem:s16+$0x20] =	vst v3  }
0xc0: {  	v7 =	vld [tilespmem:s18+$0xFFFFFFC0];
	[tilespmem:s16+$0xFFFFFFD0] =	vst v4;
	s16 =	smov.u32 s18  }
0xc1: {  	v2 =	vld.idx.msk [tilespmem:v5+s31+$0x0], $0xffff  }
0xc2: {  	v10 =	vld [tilespmem:s18+$0xFFFFFFE0]  }
0xc3: {  	v3 =	vld [tilespmem:s18+$0x20]  }
.Ltmp2:
0xc4: {  	v4 =	vld [tilespmem:s18+$0xFFFFFFD0];
	(pc) =	sbr.rel @p0 .LBB2_8-.Ltmp2, $3  }
0xc5: {  	v5 =	vld [tilespmem:s18+$0x0];
	_ =	sdelay $0x1  }
0xc6: {  	v7 =	vmul.f32 v7, v2;
	v9 =	vmul.f32 v6, v2  }
0xc7: {  	v8 =	vmul.f32 v8, v2;
	v6 =	vmul.f32 v10, v2  }
0xc8: {  	[tilespmem:s16+$0x30] =	vst v9  }
0xc9: {  	[tilespmem:s16+$0xFFFFFFC0] =	vst v7  }
0xca: {  	v1 =	vmul.f32 v1, v2;
	[tilespmem:s16+$0x10] =	vst v8  }
0xcb: {  	v3 =	vmul.f32 v3, v2;
	[tilespmem:s16+$0xFFFFFFE0] =	vst v6  }
0xcc: {  	v5 =	vmul.f32 v5, v2;
	[tilespmem:s16+$0xFFFFFFF0] =	vst v1  }
0xcd: {  	s14 =	sadd.s32 $0x1, s14;
	v1 =	vmul.f32 v4, v2;
	[tilespmem:s16+$0x20] =	vst v3  }
0xce: {  	p0 =	sne.s32 s14, $0xC;
	[tilespmem:s16+$0x0] =	vst v5  }
.Ltmp3:
0xcf: {  	[tilespmem:s16+$0xFFFFFFD0] =	vst v1;
	(pc) =	sbr.rel @p0 .LBB2_5-.Ltmp3, $4  }
0xd0: {  	[spmem:s4] =	stream.indirect.scatter.add.f32 [tilespmem:s3], [sflag:$0x3], $0x80, s7, s11, $0xb8;
	[tilespmem:$0x1A880] =	vst v63  }
0xd1: {  	_ =	swait.ge [sflag:s28], $0x2800  }
0xd2: {  	[sflag:s28] =	ssyncset.done $0x0  }
0xd3: {  	s13 =	sadd.s32 $0xA0, s13;
	s12 =	sadd.s32 $0xA0, s12;
	[sflag:s28] =	ssyncadd.s32 $0xFFFFD800  }
0xd4: {  	_ =	swait.ge [sflag:s6], $0x2800  }
0xd5: {  	[sflag:s6] =	ssyncset.done $0x0  }
0xd6: {  	[sflag:s6] =	ssyncadd.s32 $0xFFFFD800  }
0xd7: {  	v1 =	vld [tilespmem:$0x14F80]  }
0xd8: {  	v2 =	vld [tilespmem:$0x14F90]  }
0xd9: {  	v3 =	vld [tilespmem:$0x14FA0]  }
0xda: {  	v4 =	vld [tilespmem:$0x14FB0]  }
0xdb: {  	v5 =	vld [tilespmem:$0x14FC0]  }
0xdc: {  	[tilespmem:$0x15800] =	vst v1  }
0xdd: {  	[tilespmem:$0x15810] =	vst v2  }
0xde: {  	s12 =	simm.s32 $0x780;
	[tilespmem:$0x15820] =	vst v3  }
0xdf: {  	[tilespmem:$0x15830] =	vst v4;
	v1 =	vmov s12  }
0xe0: {  	[tilespmem:$0x15840] =	vst v5;
	s12 =	simm.s32 $0x158C0  }
0xe1: {  	v5 =	vld [tilespmem:s12+$0x30]  }
0xe2: {  	v8 =	vld [tilespmem:s12+$0x10]  }
0xe3: {  	v6 =	vld [tilespmem:s12+$0xFFFFFFC0]  }
0xe4: {  	v2 =	vld.idx.msk [tilespmem:v1+s31+$0x0], $0xffff  }
0xe5: {  	v10 =	vld [tilespmem:s12+$0xFFFFFFE0]  }
0xe6: {  	v3 =	vld [tilespmem:s12+$0x20]  }
0xe7: {  	v4 =	vld [tilespmem:s12+$0xFFFFFFD0]  }
0xe8: {  	v1 =	vld [tilespmem:s12+$0xFFFFFFF0]  }
0xe9: {  	v9 =	vmul.f32 v5, v2;
	v5 =	vld [tilespmem:s12+$0x0]  }
0xea: {  	v7 =	vmul.f32 v6, v2  }
0xeb: {  	s13 =	simm.s32 $0x781;
	s14 =	simm.s32 $0x158C0;
	v6 =	vmul.f32 v10, v2;
	v8 =	vmul.f32 v8, v2  }
.LBB2_11:
0xec: {  	p0 =	sne.s32 s13, $0x7CF  }
0xed: {  	v4 =	vmul.f32 v4, v2;
	v3 =	vmul.f32 v3, v2;
	[tilespmem:s12+$0x30] =	vst v9;
	s14 =	sadd.s32 $0x80, s14;
	s16 =	smov.u32 s13;
	s13 =	sadd.s32 $0x1, s13  }
0xee: {  	[tilespmem:s12+$0xFFFFFFC0] =	vst v7;
	v7 =	vmul.f32 v1, v2;
	v2 =	vmul.f32 v5, v2  }
0xef: {  	[tilespmem:s12+$0x10] =	vst v8  }
0xf0: {  	v5 =	vmov s16;
	[tilespmem:s12+$0xFFFFFFE0] =	vst v6  }
0xf1: {  	v1 =	vld [tilespmem:s14+$0xFFFFFFF0];
	[tilespmem:s12+$0xFFFFFFF0] =	vst v7  }
0xf2: {  	v6 =	vld [tilespmem:s14+$0x30];
	[tilespmem:s12+$0x0] =	vst v2  }
0xf3: {  	v8 =	vld [tilespmem:s14+$0x10];
	[tilespmem:s12+$0x20] =	vst v3  }
0xf4: {  	v7 =	vld [tilespmem:s14+$0xFFFFFFC0];
	[tilespmem:s12+$0xFFFFFFD0] =	vst v4;
	s12 =	smov.u32 s14  }
0xf5: {  	v2 =	vld.idx.msk [tilespmem:v5+s31+$0x0], $0xffff  }
0xf6: {  	v10 =	vld [tilespmem:s14+$0xFFFFFFE0]  }
0xf7: {  	v3 =	vld [tilespmem:s14+$0x20]  }
.Ltmp4:
0xf8: {  	v4 =	vld [tilespmem:s14+$0xFFFFFFD0];
	(pc) =	sbr.rel @p0 .LBB2_11-.Ltmp4, $3  }
0xf9: {  	v5 =	vld [tilespmem:s14+$0x0];
	_ =	sdelay $0x1  }
0xfa: {  	v7 =	vmul.f32 v7, v2;
	v9 =	vmul.f32 v6, v2  }
0xfb: {  	v8 =	vmul.f32 v8, v2;
	v6 =	vmul.f32 v10, v2  }
0xfc: {  	[tilespmem:s12+$0x30] =	vst v9  }
0xfd: {  	[tilespmem:s12+$0xFFFFFFC0] =	vst v7  }
0xfe: {  	v1 =	vmul.f32 v1, v2;
	[tilespmem:s12+$0x10] =	vst v8  }
0xff: {  	v3 =	vmul.f32 v3, v2;
	[tilespmem:s12+$0xFFFFFFE0] =	vst v6  }
0x100: {  	v5 =	vmul.f32 v5, v2;
	[tilespmem:s12+$0xFFFFFFF0] =	vst v1  }
0x101: {  	s10 =	sadd.s32 $0x1, s10;
	v1 =	vmul.f32 v4, v2;
	[tilespmem:s12+$0x20] =	vst v3  }
0x102: {  	p0 =	sne.s32 s10, $0x5;
	[tilespmem:s12+$0x0] =	vst v5  }
.Ltmp5:
0x103: {  	[tilespmem:s12+$0xFFFFFFD0] =	vst v1;
	(pc) =	sbr.rel @p0 .LBB2_4-.Ltmp5, $4  }
0x104: {  	[spmem:s4] =	stream.indirect.scatter.add.f32 [tilespmem:s26], [sflag:$0x3], $0x80, s7, s11, $0xb8;
	[tilespmem:$0x1A880] =	vst v63  }
0x105: {  	_ =	swait.ge [sflag:s28], $0x2800  }
0x106: {  	[sflag:s28] =	ssyncset.done $0x0  }
0x107: {  	[sflag:s28] =	ssyncadd.s32 $0xFFFFD800  }
0x108: {  	s9 =	stileid.u32  }
0x109: {  	[bflag:$0x0] =	sbarrier.arrive $0xFFFF;
	s9 =	sshll.u32 s9, $0x6  }
0x10a: {  	s10 =	sshrl.u32 s21, $0x3;
	s12 =	rddreg [dreg:$0x6];
	s9 =	sor.u32 $0x1C03, s9  }
0x10b: {  	[hbm:s12], [sflag:s9] =	dma.local [spmem:s10], $0x500  }
0x10c: {  	_ =	swait.ge [sflag:s28], $0x500  }
0x10d: {  	s19 =	smov.u32 s21;
	s20 =	smov.u32 s22;
	[sflag:s28] =	ssyncset.done $0x0  }
0x10e: {  	s21 =	sshrl.u32 s22, $0x3;
	s22 =	rddreg [dreg:$0x7];
	[sflag:s28] =	ssyncadd.s32 $0xFFFFFB00  }
0x10f: {  	[hbm:s22], [sflag:s9] =	dma.local [spmem:s21], $0x500  }
0x110: {  	_ =	swait.ge [sflag:s28], $0x500  }
0x111: {  	s13 =	smov.u32 s23;
	[sflag:s28] =	ssyncset.done $0x0  }
0x112: {  	s23 =	sshrl.u32 s23, $0x3;
	s25 =	rddreg [dreg:$0x8];
	[sflag:s28] =	ssyncadd.s32 $0xFFFFFB00  }
0x113: {  	[hbm:s25], [sflag:s9] =	dma.local [spmem:s23], $0x500  }
0x114: {  	_ =	swait.ge [sflag:s28], $0x500  }
0x115: {  	[sflag:s28] =	ssyncset.done $0x0;
	s14 =	rddreg [dreg:$0xe]  }
0x116: {  	s16 =	rddreg [dreg:$0x9];
	[sflag:s28] =	ssyncadd.s32 $0xFFFFFB00;
	s12 =	sshrl.u32 s14, $0x3  }
0x117: {  	[hbm:s16], [sflag:s9] =	dma.local [spmem:s12], $0x500  }
0x118: {  	_ =	swait.ge [sflag:s28], $0x500  }
0x119: {  	[sflag:s28] =	ssyncset.done $0x0;
	s16 =	rddreg [dreg:$0xf]  }
0x11a: {  	s18 =	rddreg [dreg:$0xa];
	[sflag:s28] =	ssyncadd.s32 $0xFFFFFB00;
	s17 =	sshrl.u32 s16, $0x3  }
0x11b: {  	[hbm:s18], [sflag:s9] =	dma.local [spmem:s17], $0x500  }
0x11c: {  	_ =	swait.ge [sflag:s28], $0x500  }
0x11d: {  	[sflag:s28] =	ssyncset.done $0x0;
	s17 =	rddreg [dreg:$0x10]  }
0x11e: {  	s22 =	rddreg [dreg:$0xb];
	[sflag:s28] =	ssyncadd.s32 $0xFFFFFB00;
	s21 =	sshrl.u32 s17, $0x3  }
0x11f: {  	[hbm:s22], [sflag:s9] =	dma.local [spmem:s21], $0x500  }
0x120: {  	_ =	swait.ge [sflag:s28], $0x500  }
0x121: {  	[sflag:s28] =	ssyncset.done $0x0;
	s18 =	rddreg [dreg:$0x11]  }
0x122: {  	s25 =	rddreg [dreg:$0xc];
	[sflag:s28] =	ssyncadd.s32 $0xFFFFFB00;
	s23 =	sshrl.u32 s18, $0x3  }
0x123: {  	[hbm:s25], [sflag:s9] =	dma.local [spmem:s23], $0x500  }
0x124: {  	_ =	swait.ge [sflag:s28], $0x500  }
0x125: {  	[sflag:s28] =	ssyncset.done $0x0;
	s25 =	rddreg [dreg:$0x12]  }
0x126: {  	s22 =	rddreg [dreg:$0xd];
	[sflag:s28] =	ssyncadd.s32 $0xFFFFFB00;
	s21 =	sshrl.u32 s25, $0x3  }
0x127: {  	[hbm:s22], [sflag:s9] =	dma.local [spmem:s21], $0x500  }
0x128: {  	_ =	swait.ge [sflag:s28], $0x500  }
0x129: {  	s5 =	sadd.s32 $0x1, s5;
	s23 =	rddreg [dreg:$0x13]  }
0x12a: {  	p0 =	sne.s32 s5, s23  }
.Ltmp6:
0x12b: {  	_ = 	snop;
	(pc) =	sbr.rel @p0 .LBB2_1-.Ltmp6, $3  }
0x12c: {  	_ =	sdelay $0x1  }
0x12d: {  	[sflag:s28] =	ssyncset.done $0x0  }
0x12e: {  	[sflag:s28] =	ssyncadd.s32 $0xFFFFFB00  }
0x12f: {  	_ =	sfence.sel $0x180000  }
0x130: {  	[bflag:$0x0] =	sbarrier.arrive $0xFFFF  }
0x131: {  	_ =	strace $0x90000047  }
0x132: {  	s0 =	stileid.u32;
	[bflag:$0x2] =	sbarrier.arrive $0xFFFF  }
0x133: {  	p0 =	sne.s32 s0, $0x0;
	s0 =	rddreg [dreg:$0x5]  }
0x134: {  	s0 =	sadd.s32 @!p0 $0x100000, s0  }
0x135: {  	[sflag:s0] =	ssyncadd.tile.s32 @!p0 $0x1;
	_ =	shalt  }
.Lfunc_end2:
_tile_overlayer_lowered:
.L_overlay_start_2:
0x136: {  	(tag) =	ssettag $0x2  }
0x137: {  	s0 =	rddreg [dreg:$0x0];
	s2 =	stileid.u32  }
0x138: {  	s1 =	rddreg [dreg:$0x1];
	p0 =	sne.s32 s2, $0x0  }
0x139: {  	s3 =	rddreg [dreg:$0x2];
	[bflag:$0x3] =	sbarrier.arrive $0xFFFF;
	s2 =	simm.s32 @!p0 $0x1C03  }
0x13a: {  	[timem:s3], [sflag:s2] =	dma.local @!p0 [hbm:s0], s1  }
0x13b: {  	s0 =	simm.s32 @!p0 $0x3  }
0x13c: {  	_ =	swait.ge @!p0 [sflag:s0], s1  }
0x13d: {  	s1 =	ssub.s32 @!p0 $0x0, s1;
	[sflag:s0] =	ssyncset.done @!p0 $0x0  }
0x13e: {  	[sflag:s0] =	ssyncadd.s32 @!p0 s1  }
0x13f: {  	[bflag:$0x3] =	sbarrier.arrive $0xFFFF  }
0x140: {  	_ =	shalt  }

</sc_bundles>
